<compile_context>
chip_gen: v7x
topology: tpu7x:2x2x1
jax: 0.10.2.dev20260603
libtpu: 0.0.44.dev20260713+nightly
codegen_flags: <defaults>
</compile_context>

<pallas_src>
import functools

import jax
import jax.numpy as jnp
from jax import lax
from jax.experimental import pallas as pl
from jax.experimental.pallas import tpu as pltpu
from jax.experimental.pallas import tpu_sc as plsc

NC = 2
NS = 16
NW = NC * NS
C = 128
BLK = 8


def _sc_body(ctx, x_hbm, src_hbm, dst_hbm, sums_hbm, cnts_hbm,
             src_v0, src_v1, dst_v0, dst_v1, rows0, rows1, ones_v,
             acc_sh, cnt_sh, sem_i0, sem_i1, sem_g0, sem_g1):
    n_pad, rpt, ca, cb = ctx
    cid = lax.axis_index("c")
    sid = lax.axis_index("s")
    my_chunks = jnp.where(cid == 0, ca, cb)

    zeros16 = jnp.zeros((16,), jnp.float32)
    ones16 = jnp.ones((16,), jnp.float32)

    @pl.loop(0, C * 8)
    def _(t):
        rows0[t // 8, pl.ds(16 * (t % 8), 16)] = zeros16

    @pl.loop(0, C)
    def _(i):
        ones_v[i, :] = zeros16

    row0 = sid * rpt

    @pl.loop(0, rpt // C)
    def _(j):
        pltpu.sync_copy(rows0, acc_sh.at[pl.ds(row0 + j * C, C)])
        pltpu.sync_copy(ones_v, cnt_sh.at[pl.ds(row0 + j * C, C)])

    @pl.loop(0, C)
    def _(i):
        ones_v[i, :] = ones16

    plsc.subcore_barrier()

    base_w = jnp.where(cid == 0, sid * (ca * C),
                       NS * ca * C + sid * (cb * C))
    srcs = (src_v0, src_v1)
    dsts = (dst_v0, dst_v1)
    rows = (rows0, rows1)
    sem_i = (sem_i0, sem_i1)
    sem_g = (sem_g0, sem_g1)

    def idx_issue(k, b):
        pltpu.async_copy(src_hbm.at[pl.ds(base_w + k * C, C)], srcs[b],
                         sem_i[b])
        pltpu.async_copy(dst_hbm.at[pl.ds(base_w + k * C, C)], dsts[b],
                         sem_i[b])

    def idx_wait(k, b):
        pltpu.make_async_copy(src_hbm.at[pl.ds(base_w + k * C, C)], srcs[b],
                              sem_i[b]).wait()
        pltpu.make_async_copy(dst_hbm.at[pl.ds(base_w + k * C, C)], dsts[b],
                              sem_i[b]).wait()

    def g_issue(b):
        pltpu.async_copy(x_hbm.at[srcs[b]], rows[b], sem_g[b])

    def g_wait(b):
        pltpu.make_async_copy(x_hbm.at[srcs[b]], rows[b], sem_g[b]).wait()

    def scat(b):
        pltpu.sync_copy(rows[b], acc_sh.at[dsts[b]], add=True)
        pltpu.sync_copy(ones_v, cnt_sh.at[dsts[b]], add=True)

    pltpu.sync_copy(src_hbm.at[pl.ds(base_w, C)], srcs[0])
    pltpu.sync_copy(dst_hbm.at[pl.ds(base_w, C)], dsts[0])
    g_issue(0)
    idx_issue(1, 1)

    n_pairs = (my_chunks - 1) // 2

    @pl.loop(0, n_pairs)
    def _(m):
        k0 = 2 * m
        g_wait(0)
        idx_wait(k0 + 1, 1)
        g_issue(1)
        scat(0)
        idx_issue(k0 + 2, 0)
        g_wait(1)
        idx_wait(k0 + 2, 0)
        g_issue(0)
        scat(1)

        @pl.when(m < n_pairs - 1)
        def _():
            idx_issue(k0 + 3, 1)

    g_wait(0)
    scat(0)

    plsc.subcore_barrier()

    pltpu.sync_copy(acc_sh.at[pl.ds(row0, rpt)],
                    sums_hbm.at[cid, pl.ds(row0, rpt)])
    pltpu.sync_copy(cnt_sh.at[pl.ds(row0, rpt)],
                    cnts_hbm.at[cid, pl.ds(row0, rpt)])


CA_FRAC = 0.9


def _split_chunks(total):
    ca = int(total * CA_FRAC / NS)
    ca = ca if ca % 2 == 1 else ca - 1
    cb = total // NS - ca
    assert cb % 2 == 1 and ca >= 1 and cb >= 1
    return ca, cb


def _segment_sums(x, src3, dst3, n_pad):
    ca, cb = _split_chunks(src3.shape[0] // C)
    rpt = n_pad // NS
    d = x.shape[1]
    mesh = plsc.VectorSubcoreMesh(core_axis_name="c", subcore_axis_name="s")
    body = functools.partial(_sc_body, (n_pad, rpt, ca, cb))
    return pl.kernel(
        body,
        out_type=(
            jax.ShapeDtypeStruct((NC, n_pad, d), jnp.float32),
            jax.ShapeDtypeStruct((NC, n_pad, 16), jnp.float32),
        ),
        mesh=mesh,
        compiler_params=pltpu.CompilerParams(use_tc_tiling_on_sc=False),
        scratch_types=[
            pltpu.VMEM((C,), jnp.int32),
            pltpu.VMEM((C,), jnp.int32),
            pltpu.VMEM((C,), jnp.int32),
            pltpu.VMEM((C,), jnp.int32),
            pltpu.VMEM((C, d), jnp.float32),
            pltpu.VMEM((C, d), jnp.float32),
            pltpu.VMEM((C, 16), jnp.float32),
            pltpu.VMEM_SHARED((n_pad, d), jnp.float32),
            pltpu.VMEM_SHARED((n_pad, 16), jnp.float32),
            pltpu.SemaphoreType.DMA,
            pltpu.SemaphoreType.DMA,
            pltpu.SemaphoreType.DMA,
            pltpu.SemaphoreType.DMA,
        ],
    )(x, src3, dst3)


def _tc_body(s_ref, c_ref, w_ref, b_ref, o_ref):
    s = s_ref[0] + s_ref[1]
    c = c_ref[0, :, 0:1] + c_ref[1, :, 0:1]
    mean = s / jnp.maximum(c, 1.0)
    h = lax.dot_general(mean, w_ref[...], (((1,), (1,)), ((), ())),
                        preferred_element_type=jnp.float32)
    out = h + b_ref[...] * jnp.minimum(c, 1.0)
    o_ref[...] = jnp.maximum(out, 0.0)


def _finish(sums, cnts, W, b, n_pad, rows_blk):
    d_in = W.shape[1]
    d_out = W.shape[0]
    grid = (n_pad // rows_blk,)
    return pl.pallas_call(
        _tc_body,
        grid=grid,
        in_specs=[
            pl.BlockSpec((NC, rows_blk, d_in), lambda i: (0, i, 0)),
            pl.BlockSpec((NC, rows_blk, 16), lambda i: (0, i, 0)),
            pl.BlockSpec((d_out, d_in), lambda i: (0, 0)),
            pl.BlockSpec((1, d_out), lambda i: (0, 0)),
        ],
        out_specs=pl.BlockSpec((rows_blk, d_out), lambda i: (i, 0)),
        out_shape=jax.ShapeDtypeStruct((n_pad, d_out), jnp.float32),
    )(sums, cnts, W, b.reshape(1, d_out))


def kernel(x, edge_index, W, b):
    n = x.shape[0]
    e = edge_index.shape[1]

    n_pad = ((n + 1) + NS * C - 1) // (NS * C) * (NS * C)
    egrp = NW * C
    e_pad = (e + egrp - 1) // egrp * egrp

    src = edge_index[0].astype(jnp.int32)
    dst = edge_index[1].astype(jnp.int32)
    pad = e_pad - e
    if pad:
        src = jnp.concatenate([src, jnp.zeros((pad,), jnp.int32)])
        dst = jnp.concatenate(
            [dst, n + (jnp.arange(pad, dtype=jnp.int32) % C)])
    sums, cnts = _segment_sums(x, src, dst, n_pad)
    out = _finish(sums, cnts, W, b, n_pad, rows_blk=1024)
    return out[:n]

# --- scband reference (transcript-rebuilt; emitter-appended) ---
"""Pipeline reference for scband-gcnlayer-57320633532847 (READ-ONLY COPY).

The authoritative reference and input builder live on the scoring server;
editing this copy changes nothing except your own understanding.
"""

import jax, jax.numpy as jnp
import numpy as np

N_NODES = 10000
N_EDGES = 320000
D_IN = 128
D_OUT = 128


def setup_inputs(seed: int = 0) -> dict:
    key = jax.random.key(seed)
    k1, k2, k3, k4 = jax.random.split(key, 4)
    x = jax.random.normal(k1, (N_NODES, D_IN), dtype=jnp.float32)
    edge_index = jax.random.randint(k2, (2, N_EDGES), 0, N_NODES, dtype=jnp.int64)
    # nn.Linear params: weight [out, in], bias [out]
    W = jax.random.normal(k3, (D_OUT, D_IN), dtype=jnp.float32) * (1.0 / np.sqrt(D_IN))
    b = jax.random.normal(k4, (D_OUT,), dtype=jnp.float32) * 0.01
    return {"x": x, "edge_index": edge_index, "W": W, "b": b}


def reference(x, edge_index, W, b):
    # x = self.Linear(x)
    h = x @ W.T + b
    in_node = edge_index[0]
    out_node = edge_index[1]
    num_nodes = h.shape[0]
    # scatter(..., reduce='mean'): segment_sum of gathered features / per-node edge counts
    gathered = jnp.take(h, in_node, axis=0)
    sums = jax.ops.segment_sum(gathered, out_node, num_segments=num_nodes)
    counts = jax.ops.segment_sum(jnp.ones((in_node.shape[0],), dtype=h.dtype), out_node, num_segments=num_nodes)
    counts = jnp.clip(counts, 1.0, None)
    out = sums / counts[:, None]
    return jax.nn.relu(out)

if __name__ == "__main__":
    import jax
    _d = setup_inputs()
    print(jax.jit(kernel)(*tuple(_d.values())))

</pallas_src>

<mosaic_0001>
#map = affine_map<(d0, d1) -> (0, 0)>
#map1 = affine_map<(d0, d1) -> (0)>
#map2 = affine_map<(d0, d1) -> (0, 0, 0)>
module attributes {stable_mosaic.version = 14 : i64} {
  func.func @_sc_body(%arg0: i32, %arg1: i32, %arg2: memref<10000x128xf32, #tpu.memory_space<hbm>>, %arg3: memref<323584xi32, #tpu.memory_space<hbm>>, %arg4: memref<323584xi32, #tpu.memory_space<hbm>>, %arg5: memref<2x10240x128xf32, #tpu.memory_space<hbm>>, %arg6: memref<2x10240x16xf32, #tpu.memory_space<hbm>>, %arg7: memref<128xi32, #tpu.memory_space<vmem>>, %arg8: memref<128xi32, #tpu.memory_space<vmem>>, %arg9: memref<128xi32, #tpu.memory_space<vmem>>, %arg10: memref<128xi32, #tpu.memory_space<vmem>>, %arg11: memref<128x128xf32, #tpu.memory_space<vmem>>, %arg12: memref<128x128xf32, #tpu.memory_space<vmem>>, %arg13: memref<128x16xf32, #tpu.memory_space<vmem>>, %arg14: memref<10240x128xf32, #tpu.memory_space<vmem_shared>>, %arg15: memref<10240x16xf32, #tpu.memory_space<vmem_shared>>, %arg16: memref<!tpu.dma_semaphore, #tpu.memory_space<semaphore_mem>>, %arg17: memref<!tpu.dma_semaphore, #tpu.memory_space<semaphore_mem>>, %arg18: memref<!tpu.dma_semaphore, #tpu.memory_space<semaphore_mem>>, %arg19: memref<!tpu.dma_semaphore, #tpu.memory_space<semaphore_mem>>) attributes {dimension_semantics = [#tpu.dimension_semantics<core_parallel>, #tpu.dimension_semantics<subcore_parallel>], iteration_bounds = array<i64: 2, 16>, scalar_prefetch = 0 : i64, scratch_operands = 13 : i64, tpu.core_type = #tpu.core_type<sc_vector_subcore>, window_params = [{transform_indices = #map}, {transform_indices = #map1}, {transform_indices = #map1}, {transform_indices = #map2}, {transform_indices = #map2}]} {
    %eq3A = arith.constant 0 : i32
    %eq3A_0 = arith.cmpi eq, %arg0, %eq3A : i32
    %jit3A = arith.constant 141 : i32
    %jit3A_1 = arith.constant 17 : i32
    %select_n3A = arith.select %eq3A_0, %jit3A, %jit3A_1 : i32
    %broadcast_in_dim3A = arith.constant 0.000000e+00 : f32
    %broadcast_in_dim3A_2 = vector.broadcast %broadcast_in_dim3A : f32 to vector<16xf32>
    %broadcast_in_dim3A_3 = arith.constant 1.000000e+00 : f32
    %broadcast_in_dim3A_4 = vector.broadcast %broadcast_in_dim3A_3 : f32 to vector<16xf32>
    %scan3A = arith.constant 0 : i32
    %scan3A_5 = arith.constant 1024 : i32
    %scan3A_6 = arith.addi %scan3A, %scan3A_5 : i32
    %scan3A_7 = arith.constant 1 : i32
    scf.for %scan3A_84 = %scan3A to %scan3A_6 step %scan3A_7  : i32 {
      %mul3A_85 = arith.constant 1 : i32
      %mul3A_86 = arith.muli %scan3A_84, %mul3A_85 : i32
      %add3A_87 = arith.constant 0 : i32
      %add3A_88 = arith.addi %add3A_87, %mul3A_86 : i32
      %jit3A_89 = arith.constant 8 : i32
      %div3A_90 = arith.divsi %add3A_88, %jit3A_89 : i32
      %sign3A_91 = arith.constant 0 : i32
      %sign3A_92 = arith.cmpi sgt, %add3A_88, %sign3A_91 : i32
      %sign3A_93 = arith.extui %sign3A_92 : i1 to i32
      %sign3A_94 = arith.constant 0 : i32
      %sign3A_95 = arith.cmpi slt, %add3A_88, %sign3A_94 : i32
      %sign3A_96 = arith.extui %sign3A_95 : i1 to i32
      %sign3A_97 = arith.subi %sign3A_93, %sign3A_96 : i32
      %sign3A_98 = arith.constant 0 : i32
      %sign3A_99 = arith.cmpi sgt, %jit3A_89, %sign3A_98 : i32
      %sign3A_100 = arith.extui %sign3A_99 : i1 to i32
      %sign3A_101 = arith.constant 0 : i32
      %sign3A_102 = arith.cmpi slt, %jit3A_89, %sign3A_101 : i32
      %sign3A_103 = arith.extui %sign3A_102 : i1 to i32
      %sign3A_104 = arith.subi %sign3A_100, %sign3A_103 : i32
      %ne3A_105 = arith.cmpi ne, %sign3A_97, %sign3A_104 : i32
      %rem3A_106 = arith.remsi %add3A_88, %jit3A_89 : i32
      %ne3A_107 = arith.constant 0 : i32
      %ne3A_108 = arith.cmpi ne, %rem3A_106, %ne3A_107 : i32
      %and3A_109 = arith.andi %ne3A_105, %ne3A_108 : i1
      %sub3A_110 = arith.constant 1 : i32
      %sub3A_111 = arith.subi %div3A_90, %sub3A_110 : i32
      %select_n3A_112 = arith.select %and3A_109, %sub3A_111, %div3A_90 : i32
      %jit3A_113 = arith.constant 8 : i32
      %eq3A_114 = arith.constant 0 : i32
      %eq3A_115 = arith.cmpi eq, %jit3A_113, %eq3A_114 : i32
      %jit3A_116 = arith.constant 1 : i32
      %select_n3A_117 = arith.select %eq3A_115, %jit3A_116, %jit3A_113 : i32
      %rem3A_118 = arith.remsi %add3A_88, %select_n3A_117 : i32
      %ne3A_119 = arith.constant 0 : i32
      %ne3A_120 = arith.cmpi ne, %rem3A_118, %ne3A_119 : i32
      %lt3A = arith.constant 0 : i32
      %lt3A_121 = arith.cmpi slt, %rem3A_118, %lt3A : i32
      %lt3A_122 = arith.constant 0 : i32
      %lt3A_123 = arith.cmpi slt, %select_n3A_117, %lt3A_122 : i32
      %ne3A_124 = arith.xori %lt3A_121, %lt3A_123 : i1
      %and3A_125 = arith.andi %ne3A_124, %ne3A_120 : i1
      %add3A_126 = arith.addi %rem3A_118, %select_n3A_117 : i32
      %select_n3A_127 = arith.select %and3A_125, %add3A_126, %rem3A_118 : i32
      %mul3A_128 = arith.constant 16 : i32
      %mul3A_129 = arith.muli %mul3A_128, %select_n3A_127 : i32
      %swap3A = arith.index_cast %select_n3A_112 : i32 to index
      %swap3A_130 = arith.index_cast %mul3A_129 : i32 to index
      %swap3A_131 = tpu.vector_load %arg11[%swap3A, %swap3A_130] {strides = array<i32>} : memref<128x128xf32, #tpu.memory_space<vmem>>, vector<1x16xf32>,
      %swap3A_132 = vector.shape_cast %swap3A_131 : vector<1x16xf32> to vector<16xf32>
      %swap3A_133 = vector.shape_cast %broadcast_in_dim3A_2 : vector<16xf32> to vector<1x16xf32>
      tpu.vector_store %arg11[%swap3A, %swap3A_130], %swap3A_133 {strides = array<i32>} : memref<128x128xf32, #tpu.memory_space<vmem>>, vector<1x16xf32>,
    }
    %scan3A_8 = arith.constant 1024 : i32
    %scan3A_9 = arith.constant 0 : i32
    %scan3A_10 = arith.constant 128 : i32
    %scan3A_11 = arith.addi %scan3A_9, %scan3A_10 : i32
    %scan3A_12 = arith.constant 1 : i32
    scf.for %scan3A_84 = %scan3A_9 to %scan3A_11 step %scan3A_12  : i32 {
      %mul3A_85 = arith.constant 1 : i32
      %mul3A_86 = arith.muli %scan3A_84, %mul3A_85 : i32
      %add3A_87 = arith.constant 0 : i32
      %add3A_88 = arith.addi %add3A_87, %mul3A_86 : i32
      %swap3A = arith.index_cast %add3A_88 : i32 to index
      %swap3A_89 = arith.constant 0 : index
      %swap3A_90 = tpu.vector_load %arg13[%swap3A, %swap3A_89] {strides = array<i32>} : memref<128x16xf32, #tpu.memory_space<vmem>>, vector<1x16xf32>,
      %swap3A_91 = vector.shape_cast %swap3A_90 : vector<1x16xf32> to vector<16xf32>
      %swap3A_92 = vector.shape_cast %broadcast_in_dim3A_2 : vector<16xf32> to vector<1x16xf32>
      tpu.vector_store %arg13[%swap3A, %swap3A_89], %swap3A_92 {strides = array<i32>} : memref<128x16xf32, #tpu.memory_space<vmem>>, vector<1x16xf32>,
    }
    %scan3A_13 = arith.constant 128 : i32
    %mul3A = arith.constant 640 : i32
    %mul3A_14 = arith.muli %arg1, %mul3A : i32
    %scan3A_15 = arith.constant 0 : i32
    %scan3A_16 = arith.constant 5 : i32
    %scan3A_17 = arith.addi %scan3A_15, %scan3A_16 : i32
    %scan3A_18 = arith.constant 1 : i32
    scf.for %scan3A_84 = %scan3A_15 to %scan3A_17 step %scan3A_18  : i32 {
      %mul3A_85 = arith.constant 1 : i32
      %mul3A_86 = arith.muli %scan3A_84, %mul3A_85 : i32
      %add3A_87 = arith.constant 0 : i32
      %add3A_88 = arith.addi %add3A_87, %mul3A_86 : i32
      %mul3A_89 = arith.constant 128 : i32
      %mul3A_90 = arith.muli %add3A_88, %mul3A_89 : i32
      %add3A_91 = arith.addi %mul3A_14, %mul3A_90 : i32
      "tpu.region"() ({
        %run_scoped3A = tpu.sem_alloc : memref<!tpu.dma_semaphore, #tpu.memory_space<semaphore_mem>>
        %dma_start3A_95 = arith.constant 0 : i32
        %dma_start3A_96 = tpu.memref_slice %arg14[%add3A_91, %dma_start3A_95] : memref<10240x128xf32, #tpu.memory_space<vmem_shared>> -> memref<128x128xf32, #tpu.memory_space<vmem_shared>>
        %dma_start3A_97 = arith.constant 0 : i32
        %dma_start3A_98 = tpu.memref_slice %arg14[%add3A_91, %dma_start3A_97] : memref<10240x128xf32, #tpu.memory_space<vmem_shared>> -> memref<128x128xf32, #tpu.memory_space<vmem_shared>>
        tpu.enqueue_dma source(%arg11 : memref<128x128xf32, #tpu.memory_space<vmem>>) target(%dma_start3A_98 : memref<128x128xf32, #tpu.memory_space<vmem_shared>>) target_semaphore(%run_scoped3A : memref<!tpu.dma_semaphore, #tpu.memory_space<semaphore_mem>>)
        %dma_wait3A_99 = arith.constant 0 : i32
        %dma_wait3A_100 = tpu.memref_slice %arg14[%add3A_91, %dma_wait3A_99] : memref<10240x128xf32, #tpu.memory_space<vmem_shared>> -> memref<128x128xf32, #tpu.memory_space<vmem_shared>>
        %dma_wait3A_101 = arith.constant 0 : i32
        %dma_wait3A_102 = tpu.memref_slice %arg14[%add3A_91, %dma_wait3A_101] : memref<10240x128xf32, #tpu.memory_space<vmem_shared>> -> memref<128x128xf32, #tpu.memory_space<vmem_shared>>
        tpu.wait_dma2 semaphore(%run_scoped3A : memref<!tpu.dma_semaphore, #tpu.memory_space<semaphore_mem>>) src(%arg11 : memref<128x128xf32, #tpu.memory_space<vmem>>) dst(%dma_wait3A_102 : memref<128x128xf32, #tpu.memory_space<vmem_shared>>)
        tpu.yield
      }) : () -> ()
      %mul3A_92 = arith.constant 128 : i32
      %mul3A_93 = arith.muli %add3A_88, %mul3A_92 : i32
      %add3A_94 = arith.addi %mul3A_14, %mul3A_93 : i32
      "tpu.region"() ({
        %run_scoped3A = tpu.sem_alloc : memref<!tpu.dma_semaphore, #tpu.memory_space<semaphore_mem>>
        %dma_start3A_95 = arith.constant 0 : i32
        %dma_start3A_96 = tpu.memref_slice %arg15[%add3A_94, %dma_start3A_95] : memref<10240x16xf32, #tpu.memory_space<vmem_shared>> -> memref<128x16xf32, #tpu.memory_space<vmem_shared>>
        %dma_start3A_97 = arith.constant 0 : i32
        %dma_start3A_98 = tpu.memref_slice %arg15[%add3A_94, %dma_start3A_97] : memref<10240x16xf32, #tpu.memory_space<vmem_shared>> -> memref<128x16xf32, #tpu.memory_space<vmem_shared>>
        tpu.enqueue_dma source(%arg13 : memref<128x16xf32, #tpu.memory_space<vmem>>) target(%dma_start3A_98 : memref<128x16xf32, #tpu.memory_space<vmem_shared>>) target_semaphore(%run_scoped3A : memref<!tpu.dma_semaphore, #tpu.memory_space<semaphore_mem>>)
        %dma_wait3A_99 = arith.constant 0 : i32
        %dma_wait3A_100 = tpu.memref_slice %arg15[%add3A_94, %dma_wait3A_99] : memref<10240x16xf32, #tpu.memory_space<vmem_shared>> -> memref<128x16xf32, #tpu.memory_space<vmem_shared>>
        %dma_wait3A_101 = arith.constant 0 : i32
        %dma_wait3A_102 = tpu.memref_slice %arg15[%add3A_94, %dma_wait3A_101] : memref<10240x16xf32, #tpu.memory_space<vmem_shared>> -> memref<128x16xf32, #tpu.memory_space<vmem_shared>>
        tpu.wait_dma2 semaphore(%run_scoped3A : memref<!tpu.dma_semaphore, #tpu.memory_space<semaphore_mem>>) src(%arg13 : memref<128x16xf32, #tpu.memory_space<vmem>>) dst(%dma_wait3A_102 : memref<128x16xf32, #tpu.memory_space<vmem_shared>>)
        tpu.yield
      }) : () -> ()
    }
    %scan3A_19 = arith.constant 5 : i32
    %scan3A_20 = arith.constant 0 : i32
    %scan3A_21 = arith.constant 128 : i32
    %scan3A_22 = arith.addi %scan3A_20, %scan3A_21 : i32
    %scan3A_23 = arith.constant 1 : i32
    scf.for %scan3A_84 = %scan3A_20 to %scan3A_22 step %scan3A_23  : i32 {
      %mul3A_85 = arith.constant 1 : i32
      %mul3A_86 = arith.muli %scan3A_84, %mul3A_85 : i32
      %add3A_87 = arith.constant 0 : i32
      %add3A_88 = arith.addi %add3A_87, %mul3A_86 : i32
      %swap3A = arith.index_cast %add3A_88 : i32 to index
      %swap3A_89 = arith.constant 0 : index
      %swap3A_90 = tpu.vector_load %arg13[%swap3A, %swap3A_89] {strides = array<i32>} : memref<128x16xf32, #tpu.memory_space<vmem>>, vector<1x16xf32>,
      %swap3A_91 = vector.shape_cast %swap3A_90 : vector<1x16xf32> to vector<16xf32>
      %swap3A_92 = vector.shape_cast %broadcast_in_dim3A_4 : vector<16xf32> to vector<1x16xf32>
      tpu.vector_store %arg13[%swap3A, %swap3A_89], %swap3A_92 {strides = array<i32>} : memref<128x16xf32, #tpu.memory_space<vmem>>, vector<1x16xf32>,
    }
    %scan3A_24 = arith.constant 128 : i32
    %barrier3A = arith.constant 0 : index
    tpu.barrier barrier_id(%barrier3A)
    %eq3A_25 = arith.constant 0 : i32
    %eq3A_26 = arith.cmpi eq, %arg0, %eq3A_25 : i32
    %mul3A_27 = arith.constant 18048 : i32
    %mul3A_28 = arith.muli %arg1, %mul3A_27 : i32
    %mul3A_29 = arith.constant 2176 : i32
    %mul3A_30 = arith.muli %arg1, %mul3A_29 : i32
    %add3A = arith.constant 288768 : i32
    %add3A_31 = arith.addi %add3A, %mul3A_30 : i32
    %select_n3A_32 = arith.select %eq3A_26, %mul3A_28, %add3A_31 : i32
    "tpu.region"() ({
      %run_scoped3A = tpu.sem_alloc : memref<!tpu.dma_semaphore, #tpu.memory_space<semaphore_mem>>
      %dma_start3A_84 = tpu.memref_slice %arg3[%select_n3A_32] : memref<323584xi32, #tpu.memory_space<hbm>> -> memref<128xi32, #tpu.memory_space<hbm>>
      %dma_start3A_85 = tpu.memref_slice %arg3[%select_n3A_32] : memref<323584xi32, #tpu.memory_space<hbm>> -> memref<128xi32, #tpu.memory_space<hbm>>
      tpu.enqueue_dma source(%dma_start3A_85 : memref<128xi32, #tpu.memory_space<hbm>>) target(%arg7 : memref<128xi32, #tpu.memory_space<vmem>>) target_semaphore(%run_scoped3A : memref<!tpu.dma_semaphore, #tpu.memory_space<semaphore_mem>>)
      %dma_wait3A_86 = tpu.memref_slice %arg3[%select_n3A_32] : memref<323584xi32, #tpu.memory_space<hbm>> -> memref<128xi32, #tpu.memory_space<hbm>>
      %dma_wait3A_87 = tpu.memref_slice %arg3[%select_n3A_32] : memref<323584xi32, #tpu.memory_space<hbm>> -> memref<128xi32, #tpu.memory_space<hbm>>
      tpu.wait_dma2 semaphore(%run_scoped3A : memref<!tpu.dma_semaphore, #tpu.memory_space<semaphore_mem>>) src(%dma_wait3A_87 : memref<128xi32, #tpu.memory_space<hbm>>) dst(%arg7 : memref<128xi32, #tpu.memory_space<vmem>>)
      tpu.yield
    }) : () -> ()
    "tpu.region"() ({
      %run_scoped3A = tpu.sem_alloc : memref<!tpu.dma_semaphore, #tpu.memory_space<semaphore_mem>>
      %dma_start3A_84 = tpu.memref_slice %arg4[%select_n3A_32] : memref<323584xi32, #tpu.memory_space<hbm>> -> memref<128xi32, #tpu.memory_space<hbm>>
      %dma_start3A_85 = tpu.memref_slice %arg4[%select_n3A_32] : memref<323584xi32, #tpu.memory_space<hbm>> -> memref<128xi32, #tpu.memory_space<hbm>>
      tpu.enqueue_dma source(%dma_start3A_85 : memref<128xi32, #tpu.memory_space<hbm>>) target(%arg9 : memref<128xi32, #tpu.memory_space<vmem>>) target_semaphore(%run_scoped3A : memref<!tpu.dma_semaphore, #tpu.memory_space<semaphore_mem>>)
      %dma_wait3A_86 = tpu.memref_slice %arg4[%select_n3A_32] : memref<323584xi32, #tpu.memory_space<hbm>> -> memref<128xi32, #tpu.memory_space<hbm>>
      %dma_wait3A_87 = tpu.memref_slice %arg4[%select_n3A_32] : memref<323584xi32, #tpu.memory_space<hbm>> -> memref<128xi32, #tpu.memory_space<hbm>>
      tpu.wait_dma2 semaphore(%run_scoped3A : memref<!tpu.dma_semaphore, #tpu.memory_space<semaphore_mem>>) src(%dma_wait3A_87 : memref<128xi32, #tpu.memory_space<hbm>>) dst(%arg9 : memref<128xi32, #tpu.memory_space<vmem>>)
      tpu.yield
    }) : () -> ()
    %dma_start3A = arith.constant 0 : i32
    %dma_start3A_33 = arith.constant 0 : i32
    %dma_start3A_34 = tpu.memref_slice %arg2[%dma_start3A, %dma_start3A_33] : memref<10000x128xf32, #tpu.memory_space<hbm>> -> memref<10000x128xf32, #tpu.memory_space<hbm>>
    tpu.enqueue_indirect_dma source(%dma_start3A_34 : memref<10000x128xf32, #tpu.memory_space<hbm>>) target(%arg11 : memref<128x128xf32, #tpu.memory_space<vmem>>) offsets(%arg7 : memref<128xi32, #tpu.memory_space<vmem>>) semaphore(%arg18 : memref<!tpu.dma_semaphore, #tpu.memory_space<semaphore_mem>>)
    %add3A_35 = arith.constant 128 : i32
    %add3A_36 = arith.addi %select_n3A_32, %add3A_35 : i32
    %dma_start3A_37 = tpu.memref_slice %arg3[%add3A_36] : memref<323584xi32, #tpu.memory_space<hbm>> -> memref<128xi32, #tpu.memory_space<hbm>>
    %dma_start3A_38 = tpu.memref_slice %arg3[%add3A_36] : memref<323584xi32, #tpu.memory_space<hbm>> -> memref<128xi32, #tpu.memory_space<hbm>>
    tpu.enqueue_dma source(%dma_start3A_38 : memref<128xi32, #tpu.memory_space<hbm>>) target(%arg8 : memref<128xi32, #tpu.memory_space<vmem>>) target_semaphore(%arg17 : memref<!tpu.dma_semaphore, #tpu.memory_space<semaphore_mem>>)
    %add3A_39 = arith.constant 128 : i32
    %add3A_40 = arith.addi %select_n3A_32, %add3A_39 : i32
    %dma_start3A_41 = tpu.memref_slice %arg4[%add3A_40] : memref<323584xi32, #tpu.memory_space<hbm>> -> memref<128xi32, #tpu.memory_space<hbm>>
    %dma_start3A_42 = tpu.memref_slice %arg4[%add3A_40] : memref<323584xi32, #tpu.memory_space<hbm>> -> memref<128xi32, #tpu.memory_space<hbm>>
    tpu.enqueue_dma source(%dma_start3A_42 : memref<128xi32, #tpu.memory_space<hbm>>) target(%arg10 : memref<128xi32, #tpu.memory_space<vmem>>) target_semaphore(%arg17 : memref<!tpu.dma_semaphore, #tpu.memory_space<semaphore_mem>>)
    %sub3A = arith.constant 1 : i32
    %sub3A_43 = arith.subi %select_n3A, %sub3A : i32
    %jit3A_44 = arith.constant 2 : i32
    %div3A = arith.divsi %sub3A_43, %jit3A_44 : i32
    %sign3A = arith.constant 0 : i32
    %sign3A_45 = arith.cmpi sgt, %sub3A_43, %sign3A : i32
    %sign3A_46 = arith.extui %sign3A_45 : i1 to i32
    %sign3A_47 = arith.constant 0 : i32
    %sign3A_48 = arith.cmpi slt, %sub3A_43, %sign3A_47 : i32
    %sign3A_49 = arith.extui %sign3A_48 : i1 to i32
    %sign3A_50 = arith.subi %sign3A_46, %sign3A_49 : i32
    %sign3A_51 = arith.constant 0 : i32
    %sign3A_52 = arith.cmpi sgt, %jit3A_44, %sign3A_51 : i32
    %sign3A_53 = arith.extui %sign3A_52 : i1 to i32
    %sign3A_54 = arith.constant 0 : i32
    %sign3A_55 = arith.cmpi slt, %jit3A_44, %sign3A_54 : i32
    %sign3A_56 = arith.extui %sign3A_55 : i1 to i32
    %sign3A_57 = arith.subi %sign3A_53, %sign3A_56 : i32
    %ne3A = arith.cmpi ne, %sign3A_50, %sign3A_57 : i32
    %rem3A = arith.remsi %sub3A_43, %jit3A_44 : i32
    %ne3A_58 = arith.constant 0 : i32
    %ne3A_59 = arith.cmpi ne, %rem3A, %ne3A_58 : i32
    %and3A = arith.andi %ne3A, %ne3A_59 : i1
    %sub3A_60 = arith.constant 1 : i32
    %sub3A_61 = arith.subi %div3A, %sub3A_60 : i32
    %select_n3A_62 = arith.select %and3A, %sub3A_61, %div3A : i32
    %sub3A_63 = arith.constant 0 : i32
    %sub3A_64 = arith.subi %select_n3A_62, %sub3A_63 : i32
    %sub3A_65 = arith.constant 1 : i32
    %sub3A_66 = arith.constant 1 : i32
    %sub3A_67 = arith.subi %sub3A_65, %sub3A_66 : i32
    %add3A_68 = arith.addi %sub3A_64, %sub3A_67 : i32
    %div3A_69 = arith.constant 1 : i32
    %div3A_70 = arith.divsi %add3A_68, %div3A_69 : i32
    %while3A = arith.constant 1 : i32
    %while3A_71 = arith.constant 0 : i32
    %while3A_72 = arith.constant 0 : i32
    %while3A_73 = arith.subi %div3A_70, %while3A_72 : i32
    %while3A_74 = arith.addi %while3A_72, %while3A_73 : i32
    %while3A_75 = arith.constant 1 : i32
    %while3A_76 = arith.divsi %while3A_73, %while3A_75 : i32
    %while3A_77 = arith.muli %while3A_76, %while3A_75 : i32
    %while3A_78 = arith.addi %while3A_72, %while3A_77 : i32
    %while3A_79 = arith.constant 1 : i32
    scf.for %while3A_84 = %while3A_72 to %while3A_78 step %while3A_79  : i32 {
      %mul3A_85 = arith.muli %while3A_84, %while3A : i32
      %add3A_86 = arith.addi %while3A_71, %mul3A_85 : i32
      %mul3A_87 = arith.constant 2 : i32
      %mul3A_88 = arith.muli %mul3A_87, %add3A_86 : i32
      %dma_wait3A_89 = arith.constant 0 : i32
      %dma_wait3A_90 = arith.constant 0 : i32
      %dma_wait3A_91 = tpu.memref_slice %arg2[%dma_wait3A_89, %dma_wait3A_90] : memref<10000x128xf32, #tpu.memory_space<hbm>> -> memref<10000x128xf32, #tpu.memory_space<hbm>>
      tpu.wait_indirect_dma semaphore(%arg18 : memref<!tpu.dma_semaphore, #tpu.memory_space<semaphore_mem>>) src(%dma_wait3A_91 : memref<10000x128xf32, #tpu.memory_space<hbm>>) dst(%arg11 : memref<128x128xf32, #tpu.memory_space<vmem>>)
      %add3A_92 = arith.constant 1 : i32
      %add3A_93 = arith.addi %mul3A_88, %add3A_92 : i32
      %mul3A_94 = arith.constant 128 : i32
      %mul3A_95 = arith.muli %add3A_93, %mul3A_94 : i32
      %add3A_96 = arith.addi %select_n3A_32, %mul3A_95 : i32
      %dma_wait3A_97 = tpu.memref_slice %arg3[%add3A_96] : memref<323584xi32, #tpu.memory_space<hbm>> -> memref<128xi32, #tpu.memory_space<hbm>>
      %dma_wait3A_98 = tpu.memref_slice %arg3[%add3A_96] : memref<323584xi32, #tpu.memory_space<hbm>> -> memref<128xi32, #tpu.memory_space<hbm>>
      tpu.wait_dma2 semaphore(%arg17 : memref<!tpu.dma_semaphore, #tpu.memory_space<semaphore_mem>>) src(%dma_wait3A_98 : memref<128xi32, #tpu.memory_space<hbm>>) dst(%arg8 : memref<128xi32, #tpu.memory_space<vmem>>)
      %mul3A_99 = arith.constant 128 : i32
      %mul3A_100 = arith.muli %add3A_93, %mul3A_99 : i32
      %add3A_101 = arith.addi %select_n3A_32, %mul3A_100 : i32
      %dma_wait3A_102 = tpu.memref_slice %arg4[%add3A_101] : memref<323584xi32, #tpu.memory_space<hbm>> -> memref<128xi32, #tpu.memory_space<hbm>>
      %dma_wait3A_103 = tpu.memref_slice %arg4[%add3A_101] : memref<323584xi32, #tpu.memory_space<hbm>> -> memref<128xi32, #tpu.memory_space<hbm>>
      tpu.wait_dma2 semaphore(%arg17 : memref<!tpu.dma_semaphore, #tpu.memory_space<semaphore_mem>>) src(%dma_wait3A_103 : memref<128xi32, #tpu.memory_space<hbm>>) dst(%arg10 : memref<128xi32, #tpu.memory_space<vmem>>)
      %dma_start3A_104 = arith.constant 0 : i32
      %dma_start3A_105 = arith.constant 0 : i32
      %dma_start3A_106 = tpu.memref_slice %arg2[%dma_start3A_104, %dma_start3A_105] : memref<10000x128xf32, #tpu.memory_space<hbm>> -> memref<10000x128xf32, #tpu.memory_space<hbm>>
      tpu.enqueue_indirect_dma source(%dma_start3A_106 : memref<10000x128xf32, #tpu.memory_space<hbm>>) target(%arg12 : memref<128x128xf32, #tpu.memory_space<vmem>>) offsets(%arg8 : memref<128xi32, #tpu.memory_space<vmem>>) semaphore(%arg19 : memref<!tpu.dma_semaphore, #tpu.memory_space<semaphore_mem>>)
      "tpu.region"() ({
        %run_scoped3A = tpu.sem_alloc : memref<!tpu.dma_semaphore, #tpu.memory_space<semaphore_mem>>
        %dma_start3A_140 = arith.constant 0 : i32
        %dma_start3A_141 = arith.constant 0 : i32
        %dma_start3A_142 = tpu.memref_slice %arg14[%dma_start3A_140, %dma_start3A_141] : memref<10240x128xf32, #tpu.memory_space<vmem_shared>> -> memref<10240x128xf32, #tpu.memory_space<vmem_shared>>
        tpu.enqueue_indirect_dma source(%arg11 : memref<128x128xf32, #tpu.memory_space<vmem>>) target(%dma_start3A_142 : memref<10240x128xf32, #tpu.memory_space<vmem_shared>>) offsets(%arg9 : memref<128xi32, #tpu.memory_space<vmem>>) semaphore(%run_scoped3A : memref<!tpu.dma_semaphore, #tpu.memory_space<semaphore_mem>>) {add = true}
        %dma_wait3A_143 = arith.constant 0 : i32
        %dma_wait3A_144 = arith.constant 0 : i32
        %dma_wait3A_145 = tpu.memref_slice %arg14[%dma_wait3A_143, %dma_wait3A_144] : memref<10240x128xf32, #tpu.memory_space<vmem_shared>> -> memref<10240x128xf32, #tpu.memory_space<vmem_shared>>
        tpu.wait_indirect_dma semaphore(%run_scoped3A : memref<!tpu.dma_semaphore, #tpu.memory_space<semaphore_mem>>) src(%arg11 : memref<128x128xf32, #tpu.memory_space<vmem>>) dst(%dma_wait3A_145 : memref<10240x128xf32, #tpu.memory_space<vmem_shared>>)
        tpu.yield
      }) : () -> ()
      "tpu.region"() ({
        %run_scoped3A = tpu.sem_alloc : memref<!tpu.dma_semaphore, #tpu.memory_space<semaphore_mem>>
        %dma_start3A_140 = arith.constant 0 : i32
        %dma_start3A_141 = arith.constant 0 : i32
        %dma_start3A_142 = tpu.memref_slice %arg15[%dma_start3A_140, %dma_start3A_141] : memref<10240x16xf32, #tpu.memory_space<vmem_shared>> -> memref<10240x16xf32, #tpu.memory_space<vmem_shared>>
        tpu.enqueue_indirect_dma source(%arg13 : memref<128x16xf32, #tpu.memory_space<vmem>>) target(%dma_start3A_142 : memref<10240x16xf32, #tpu.memory_space<vmem_shared>>) offsets(%arg9 : memref<128xi32, #tpu.memory_space<vmem>>) semaphore(%run_scoped3A : memref<!tpu.dma_semaphore, #tpu.memory_space<semaphore_mem>>) {add = true}
        %dma_wait3A_143 = arith.constant 0 : i32
        %dma_wait3A_144 = arith.constant 0 : i32
        %dma_wait3A_145 = tpu.memref_slice %arg15[%dma_wait3A_143, %dma_wait3A_144] : memref<10240x16xf32, #tpu.memory_space<vmem_shared>> -> memref<10240x16xf32, #tpu.memory_space<vmem_shared>>
        tpu.wait_indirect_dma semaphore(%run_scoped3A : memref<!tpu.dma_semaphore, #tpu.memory_space<semaphore_mem>>) src(%arg13 : memref<128x16xf32, #tpu.memory_space<vmem>>) dst(%dma_wait3A_145 : memref<10240x16xf32, #tpu.memory_space<vmem_shared>>)
        tpu.yield
      }) : () -> ()
      %add3A_107 = arith.constant 2 : i32
      %add3A_108 = arith.addi %mul3A_88, %add3A_107 : i32
      %mul3A_109 = arith.constant 128 : i32
      %mul3A_110 = arith.muli %add3A_108, %mul3A_109 : i32
      %add3A_111 = arith.addi %select_n3A_32, %mul3A_110 : i32
      %dma_start3A_112 = tpu.memref_slice %arg3[%add3A_111] : memref<323584xi32, #tpu.memory_space<hbm>> -> memref<128xi32, #tpu.memory_space<hbm>>
      %dma_start3A_113 = tpu.memref_slice %arg3[%add3A_111] : memref<323584xi32, #tpu.memory_space<hbm>> -> memref<128xi32, #tpu.memory_space<hbm>>
      tpu.enqueue_dma source(%dma_start3A_113 : memref<128xi32, #tpu.memory_space<hbm>>) target(%arg7 : memref<128xi32, #tpu.memory_space<vmem>>) target_semaphore(%arg16 : memref<!tpu.dma_semaphore, #tpu.memory_space<semaphore_mem>>)
      %mul3A_114 = arith.constant 128 : i32
      %mul3A_115 = arith.muli %add3A_108, %mul3A_114 : i32
      %add3A_116 = arith.addi %select_n3A_32, %mul3A_115 : i32
      %dma_start3A_117 = tpu.memref_slice %arg4[%add3A_116] : memref<323584xi32, #tpu.memory_space<hbm>> -> memref<128xi32, #tpu.memory_space<hbm>>
      %dma_start3A_118 = tpu.memref_slice %arg4[%add3A_116] : memref<323584xi32, #tpu.memory_space<hbm>> -> memref<128xi32, #tpu.memory_space<hbm>>
      tpu.enqueue_dma source(%dma_start3A_118 : memref<128xi32, #tpu.memory_space<hbm>>) target(%arg9 : memref<128xi32, #tpu.memory_space<vmem>>) target_semaphore(%arg16 : memref<!tpu.dma_semaphore, #tpu.memory_space<semaphore_mem>>)
      %dma_wait3A_119 = arith.constant 0 : i32
      %dma_wait3A_120 = arith.constant 0 : i32
      %dma_wait3A_121 = tpu.memref_slice %arg2[%dma_wait3A_119, %dma_wait3A_120] : memref<10000x128xf32, #tpu.memory_space<hbm>> -> memref<10000x128xf32, #tpu.memory_space<hbm>>
      tpu.wait_indirect_dma semaphore(%arg19 : memref<!tpu.dma_semaphore, #tpu.memory_space<semaphore_mem>>) src(%dma_wait3A_121 : memref<10000x128xf32, #tpu.memory_space<hbm>>) dst(%arg12 : memref<128x128xf32, #tpu.memory_space<vmem>>)
      %add3A_122 = arith.constant 2 : i32
      %add3A_123 = arith.addi %mul3A_88, %add3A_122 : i32
      %mul3A_124 = arith.constant 128 : i32
      %mul3A_125 = arith.muli %add3A_123, %mul3A_124 : i32
      %add3A_126 = arith.addi %select_n3A_32, %mul3A_125 : i32
      %dma_wait3A_127 = tpu.memref_slice %arg3[%add3A_126] : memref<323584xi32, #tpu.memory_space<hbm>> -> memref<128xi32, #tpu.memory_space<hbm>>
      %dma_wait3A_128 = tpu.memref_slice %arg3[%add3A_126] : memref<323584xi32, #tpu.memory_space<hbm>> -> memref<128xi32, #tpu.memory_space<hbm>>
      tpu.wait_dma2 semaphore(%arg16 : memref<!tpu.dma_semaphore, #tpu.memory_space<semaphore_mem>>) src(%dma_wait3A_128 : memref<128xi32, #tpu.memory_space<hbm>>) dst(%arg7 : memref<128xi32, #tpu.memory_space<vmem>>)
      %mul3A_129 = arith.constant 128 : i32
      %mul3A_130 = arith.muli %add3A_123, %mul3A_129 : i32
      %add3A_131 = arith.addi %select_n3A_32, %mul3A_130 : i32
      %dma_wait3A_132 = tpu.memref_slice %arg4[%add3A_131] : memref<323584xi32, #tpu.memory_space<hbm>> -> memref<128xi32, #tpu.memory_space<hbm>>
      %dma_wait3A_133 = tpu.memref_slice %arg4[%add3A_131] : memref<323584xi32, #tpu.memory_space<hbm>> -> memref<128xi32, #tpu.memory_space<hbm>>
      tpu.wait_dma2 semaphore(%arg16 : memref<!tpu.dma_semaphore, #tpu.memory_space<semaphore_mem>>) src(%dma_wait3A_133 : memref<128xi32, #tpu.memory_space<hbm>>) dst(%arg9 : memref<128xi32, #tpu.memory_space<vmem>>)
      %dma_start3A_134 = arith.constant 0 : i32
      %dma_start3A_135 = arith.constant 0 : i32
      %dma_start3A_136 = tpu.memref_slice %arg2[%dma_start3A_134, %dma_start3A_135] : memref<10000x128xf32, #tpu.memory_space<hbm>> -> memref<10000x128xf32, #tpu.memory_space<hbm>>
      tpu.enqueue_indirect_dma source(%dma_start3A_136 : memref<10000x128xf32, #tpu.memory_space<hbm>>) target(%arg11 : memref<128x128xf32, #tpu.memory_space<vmem>>) offsets(%arg7 : memref<128xi32, #tpu.memory_space<vmem>>) semaphore(%arg18 : memref<!tpu.dma_semaphore, #tpu.memory_space<semaphore_mem>>)
      "tpu.region"() ({
        %run_scoped3A = tpu.sem_alloc : memref<!tpu.dma_semaphore, #tpu.memory_space<semaphore_mem>>
        %dma_start3A_140 = arith.constant 0 : i32
        %dma_start3A_141 = arith.constant 0 : i32
        %dma_start3A_142 = tpu.memref_slice %arg14[%dma_start3A_140, %dma_start3A_141] : memref<10240x128xf32, #tpu.memory_space<vmem_shared>> -> memref<10240x128xf32, #tpu.memory_space<vmem_shared>>
        tpu.enqueue_indirect_dma source(%arg12 : memref<128x128xf32, #tpu.memory_space<vmem>>) target(%dma_start3A_142 : memref<10240x128xf32, #tpu.memory_space<vmem_shared>>) offsets(%arg10 : memref<128xi32, #tpu.memory_space<vmem>>) semaphore(%run_scoped3A : memref<!tpu.dma_semaphore, #tpu.memory_space<semaphore_mem>>) {add = true}
        %dma_wait3A_143 = arith.constant 0 : i32
        %dma_wait3A_144 = arith.constant 0 : i32
        %dma_wait3A_145 = tpu.memref_slice %arg14[%dma_wait3A_143, %dma_wait3A_144] : memref<10240x128xf32, #tpu.memory_space<vmem_shared>> -> memref<10240x128xf32, #tpu.memory_space<vmem_shared>>
        tpu.wait_indirect_dma semaphore(%run_scoped3A : memref<!tpu.dma_semaphore, #tpu.memory_space<semaphore_mem>>) src(%arg12 : memref<128x128xf32, #tpu.memory_space<vmem>>) dst(%dma_wait3A_145 : memref<10240x128xf32, #tpu.memory_space<vmem_shared>>)
        tpu.yield
      }) : () -> ()
      "tpu.region"() ({
        %run_scoped3A = tpu.sem_alloc : memref<!tpu.dma_semaphore, #tpu.memory_space<semaphore_mem>>
        %dma_start3A_140 = arith.constant 0 : i32
        %dma_start3A_141 = arith.constant 0 : i32
        %dma_start3A_142 = tpu.memref_slice %arg15[%dma_start3A_140, %dma_start3A_141] : memref<10240x16xf32, #tpu.memory_space<vmem_shared>> -> memref<10240x16xf32, #tpu.memory_space<vmem_shared>>
        tpu.enqueue_indirect_dma source(%arg13 : memref<128x16xf32, #tpu.memory_space<vmem>>) target(%dma_start3A_142 : memref<10240x16xf32, #tpu.memory_space<vmem_shared>>) offsets(%arg10 : memref<128xi32, #tpu.memory_space<vmem>>) semaphore(%run_scoped3A : memref<!tpu.dma_semaphore, #tpu.memory_space<semaphore_mem>>) {add = true}
        %dma_wait3A_143 = arith.constant 0 : i32
        %dma_wait3A_144 = arith.constant 0 : i32
        %dma_wait3A_145 = tpu.memref_slice %arg15[%dma_wait3A_143, %dma_wait3A_144] : memref<10240x16xf32, #tpu.memory_space<vmem_shared>> -> memref<10240x16xf32, #tpu.memory_space<vmem_shared>>
        tpu.wait_indirect_dma semaphore(%run_scoped3A : memref<!tpu.dma_semaphore, #tpu.memory_space<semaphore_mem>>) src(%arg13 : memref<128x16xf32, #tpu.memory_space<vmem>>) dst(%dma_wait3A_145 : memref<10240x16xf32, #tpu.memory_space<vmem_shared>>)
        tpu.yield
      }) : () -> ()
      %sub3A_137 = arith.constant 1 : i32
      %sub3A_138 = arith.subi %select_n3A_62, %sub3A_137 : i32
      %lt3A = arith.cmpi slt, %add3A_86, %sub3A_138 : i32
      %convert_element_type3A = arith.extui %lt3A : i1 to i32
      %cond3A = arith.constant 0 : i32
      %cond3A_139 = arith.cmpi ne, %convert_element_type3A, %cond3A : i32
      scf.if %cond3A_139 {
        %add3A_140 = arith.constant 3 : i32
        %add3A_141 = arith.addi %mul3A_88, %add3A_140 : i32
        %mul3A_142 = arith.constant 128 : i32
        %mul3A_143 = arith.muli %add3A_141, %mul3A_142 : i32
        %add3A_144 = arith.addi %select_n3A_32, %mul3A_143 : i32
        %dma_start3A_145 = tpu.memref_slice %arg3[%add3A_144] : memref<323584xi32, #tpu.memory_space<hbm>> -> memref<128xi32, #tpu.memory_space<hbm>>
        %dma_start3A_146 = tpu.memref_slice %arg3[%add3A_144] : memref<323584xi32, #tpu.memory_space<hbm>> -> memref<128xi32, #tpu.memory_space<hbm>>
        tpu.enqueue_dma source(%dma_start3A_146 : memref<128xi32, #tpu.memory_space<hbm>>) target(%arg8 : memref<128xi32, #tpu.memory_space<vmem>>) target_semaphore(%arg17 : memref<!tpu.dma_semaphore, #tpu.memory_space<semaphore_mem>>)
        %mul3A_147 = arith.constant 128 : i32
        %mul3A_148 = arith.muli %add3A_141, %mul3A_147 : i32
        %add3A_149 = arith.addi %select_n3A_32, %mul3A_148 : i32
        %dma_start3A_150 = tpu.memref_slice %arg4[%add3A_149] : memref<323584xi32, #tpu.memory_space<hbm>> -> memref<128xi32, #tpu.memory_space<hbm>>
        %dma_start3A_151 = tpu.memref_slice %arg4[%add3A_149] : memref<323584xi32, #tpu.memory_space<hbm>> -> memref<128xi32, #tpu.memory_space<hbm>>
        tpu.enqueue_dma source(%dma_start3A_151 : memref<128xi32, #tpu.memory_space<hbm>>) target(%arg10 : memref<128xi32, #tpu.memory_space<vmem>>) target_semaphore(%arg17 : memref<!tpu.dma_semaphore, #tpu.memory_space<semaphore_mem>>)
      } else {
      }
    }
    %while3A_80 = arith.constant 1 : i32
    scf.for %while3A_84 = %while3A_78 to %while3A_74 step %while3A_80  : i32 {
      %mul3A_85 = arith.muli %while3A_84, %while3A : i32
      %add3A_86 = arith.addi %while3A_71, %mul3A_85 : i32
      %mul3A_87 = arith.constant 2 : i32
      %mul3A_88 = arith.muli %mul3A_87, %add3A_86 : i32
      %dma_wait3A_89 = arith.constant 0 : i32
      %dma_wait3A_90 = arith.constant 0 : i32
      %dma_wait3A_91 = tpu.memref_slice %arg2[%dma_wait3A_89, %dma_wait3A_90] : memref<10000x128xf32, #tpu.memory_space<hbm>> -> memref<10000x128xf32, #tpu.memory_space<hbm>>
      tpu.wait_indirect_dma semaphore(%arg18 : memref<!tpu.dma_semaphore, #tpu.memory_space<semaphore_mem>>) src(%dma_wait3A_91 : memref<10000x128xf32, #tpu.memory_space<hbm>>) dst(%arg11 : memref<128x128xf32, #tpu.memory_space<vmem>>)
      %add3A_92 = arith.constant 1 : i32
      %add3A_93 = arith.addi %mul3A_88, %add3A_92 : i32
      %mul3A_94 = arith.constant 128 : i32
      %mul3A_95 = arith.muli %add3A_93, %mul3A_94 : i32
      %add3A_96 = arith.addi %select_n3A_32, %mul3A_95 : i32
      %dma_wait3A_97 = tpu.memref_slice %arg3[%add3A_96] : memref<323584xi32, #tpu.memory_space<hbm>> -> memref<128xi32, #tpu.memory_space<hbm>>
      %dma_wait3A_98 = tpu.memref_slice %arg3[%add3A_96] : memref<323584xi32, #tpu.memory_space<hbm>> -> memref<128xi32, #tpu.memory_space<hbm>>
      tpu.wait_dma2 semaphore(%arg17 : memref<!tpu.dma_semaphore, #tpu.memory_space<semaphore_mem>>) src(%dma_wait3A_98 : memref<128xi32, #tpu.memory_space<hbm>>) dst(%arg8 : memref<128xi32, #tpu.memory_space<vmem>>)
      %mul3A_99 = arith.constant 128 : i32
      %mul3A_100 = arith.muli %add3A_93, %mul3A_99 : i32
      %add3A_101 = arith.addi %select_n3A_32, %mul3A_100 : i32
      %dma_wait3A_102 = tpu.memref_slice %arg4[%add3A_101] : memref<323584xi32, #tpu.memory_space<hbm>> -> memref<128xi32, #tpu.memory_space<hbm>>
      %dma_wait3A_103 = tpu.memref_slice %arg4[%add3A_101] : memref<323584xi32, #tpu.memory_space<hbm>> -> memref<128xi32, #tpu.memory_space<hbm>>
      tpu.wait_dma2 semaphore(%arg17 : memref<!tpu.dma_semaphore, #tpu.memory_space<semaphore_mem>>) src(%dma_wait3A_103 : memref<128xi32, #tpu.memory_space<hbm>>) dst(%arg10 : memref<128xi32, #tpu.memory_space<vmem>>)
      %dma_start3A_104 = arith.constant 0 : i32
      %dma_start3A_105 = arith.constant 0 : i32
      %dma_start3A_106 = tpu.memref_slice %arg2[%dma_start3A_104, %dma_start3A_105] : memref<10000x128xf32, #tpu.memory_space<hbm>> -> memref<10000x128xf32, #tpu.memory_space<hbm>>
      tpu.enqueue_indirect_dma source(%dma_start3A_106 : memref<10000x128xf32, #tpu.memory_space<hbm>>) target(%arg12 : memref<128x128xf32, #tpu.memory_space<vmem>>) offsets(%arg8 : memref<128xi32, #tpu.memory_space<vmem>>) semaphore(%arg19 : memref<!tpu.dma_semaphore, #tpu.memory_space<semaphore_mem>>)
      "tpu.region"() ({
        %run_scoped3A = tpu.sem_alloc : memref<!tpu.dma_semaphore, #tpu.memory_space<semaphore_mem>>
        %dma_start3A_140 = arith.constant 0 : i32
        %dma_start3A_141 = arith.constant 0 : i32
        %dma_start3A_142 = tpu.memref_slice %arg14[%dma_start3A_140, %dma_start3A_141] : memref<10240x128xf32, #tpu.memory_space<vmem_shared>> -> memref<10240x128xf32, #tpu.memory_space<vmem_shared>>
        tpu.enqueue_indirect_dma source(%arg11 : memref<128x128xf32, #tpu.memory_space<vmem>>) target(%dma_start3A_142 : memref<10240x128xf32, #tpu.memory_space<vmem_shared>>) offsets(%arg9 : memref<128xi32, #tpu.memory_space<vmem>>) semaphore(%run_scoped3A : memref<!tpu.dma_semaphore, #tpu.memory_space<semaphore_mem>>) {add = true}
        %dma_wait3A_143 = arith.constant 0 : i32
        %dma_wait3A_144 = arith.constant 0 : i32
        %dma_wait3A_145 = tpu.memref_slice %arg14[%dma_wait3A_143, %dma_wait3A_144] : memref<10240x128xf32, #tpu.memory_space<vmem_shared>> -> memref<10240x128xf32, #tpu.memory_space<vmem_shared>>
        tpu.wait_indirect_dma semaphore(%run_scoped3A : memref<!tpu.dma_semaphore, #tpu.memory_space<semaphore_mem>>) src(%arg11 : memref<128x128xf32, #tpu.memory_space<vmem>>) dst(%dma_wait3A_145 : memref<10240x128xf32, #tpu.memory_space<vmem_shared>>)
        tpu.yield
      }) : () -> ()
      "tpu.region"() ({
        %run_scoped3A = tpu.sem_alloc : memref<!tpu.dma_semaphore, #tpu.memory_space<semaphore_mem>>
        %dma_start3A_140 = arith.constant 0 : i32
        %dma_start3A_141 = arith.constant 0 : i32
        %dma_start3A_142 = tpu.memref_slice %arg15[%dma_start3A_140, %dma_start3A_141] : memref<10240x16xf32, #tpu.memory_space<vmem_shared>> -> memref<10240x16xf32, #tpu.memory_space<vmem_shared>>
        tpu.enqueue_indirect_dma source(%arg13 : memref<128x16xf32, #tpu.memory_space<vmem>>) target(%dma_start3A_142 : memref<10240x16xf32, #tpu.memory_space<vmem_shared>>) offsets(%arg9 : memref<128xi32, #tpu.memory_space<vmem>>) semaphore(%run_scoped3A : memref<!tpu.dma_semaphore, #tpu.memory_space<semaphore_mem>>) {add = true}
        %dma_wait3A_143 = arith.constant 0 : i32
        %dma_wait3A_144 = arith.constant 0 : i32
        %dma_wait3A_145 = tpu.memref_slice %arg15[%dma_wait3A_143, %dma_wait3A_144] : memref<10240x16xf32, #tpu.memory_space<vmem_shared>> -> memref<10240x16xf32, #tpu.memory_space<vmem_shared>>
        tpu.wait_indirect_dma semaphore(%run_scoped3A : memref<!tpu.dma_semaphore, #tpu.memory_space<semaphore_mem>>) src(%arg13 : memref<128x16xf32, #tpu.memory_space<vmem>>) dst(%dma_wait3A_145 : memref<10240x16xf32, #tpu.memory_space<vmem_shared>>)
        tpu.yield
      }) : () -> ()
      %add3A_107 = arith.constant 2 : i32
      %add3A_108 = arith.addi %mul3A_88, %add3A_107 : i32
      %mul3A_109 = arith.constant 128 : i32
      %mul3A_110 = arith.muli %add3A_108, %mul3A_109 : i32
      %add3A_111 = arith.addi %select_n3A_32, %mul3A_110 : i32
      %dma_start3A_112 = tpu.memref_slice %arg3[%add3A_111] : memref<323584xi32, #tpu.memory_space<hbm>> -> memref<128xi32, #tpu.memory_space<hbm>>
      %dma_start3A_113 = tpu.memref_slice %arg3[%add3A_111] : memref<323584xi32, #tpu.memory_space<hbm>> -> memref<128xi32, #tpu.memory_space<hbm>>
      tpu.enqueue_dma source(%dma_start3A_113 : memref<128xi32, #tpu.memory_space<hbm>>) target(%arg7 : memref<128xi32, #tpu.memory_space<vmem>>) target_semaphore(%arg16 : memref<!tpu.dma_semaphore, #tpu.memory_space<semaphore_mem>>)
      %mul3A_114 = arith.constant 128 : i32
      %mul3A_115 = arith.muli %add3A_108, %mul3A_114 : i32
      %add3A_116 = arith.addi %select_n3A_32, %mul3A_115 : i32
      %dma_start3A_117 = tpu.memref_slice %arg4[%add3A_116] : memref<323584xi32, #tpu.memory_space<hbm>> -> memref<128xi32, #tpu.memory_space<hbm>>
      %dma_start3A_118 = tpu.memref_slice %arg4[%add3A_116] : memref<323584xi32, #tpu.memory_space<hbm>> -> memref<128xi32, #tpu.memory_space<hbm>>
      tpu.enqueue_dma source(%dma_start3A_118 : memref<128xi32, #tpu.memory_space<hbm>>) target(%arg9 : memref<128xi32, #tpu.memory_space<vmem>>) target_semaphore(%arg16 : memref<!tpu.dma_semaphore, #tpu.memory_space<semaphore_mem>>)
      %dma_wait3A_119 = arith.constant 0 : i32
      %dma_wait3A_120 = arith.constant 0 : i32
      %dma_wait3A_121 = tpu.memref_slice %arg2[%dma_wait3A_119, %dma_wait3A_120] : memref<10000x128xf32, #tpu.memory_space<hbm>> -> memref<10000x128xf32, #tpu.memory_space<hbm>>
      tpu.wait_indirect_dma semaphore(%arg19 : memref<!tpu.dma_semaphore, #tpu.memory_space<semaphore_mem>>) src(%dma_wait3A_121 : memref<10000x128xf32, #tpu.memory_space<hbm>>) dst(%arg12 : memref<128x128xf32, #tpu.memory_space<vmem>>)
      %add3A_122 = arith.constant 2 : i32
      %add3A_123 = arith.addi %mul3A_88, %add3A_122 : i32
      %mul3A_124 = arith.constant 128 : i32
      %mul3A_125 = arith.muli %add3A_123, %mul3A_124 : i32
      %add3A_126 = arith.addi %select_n3A_32, %mul3A_125 : i32
      %dma_wait3A_127 = tpu.memref_slice %arg3[%add3A_126] : memref<323584xi32, #tpu.memory_space<hbm>> -> memref<128xi32, #tpu.memory_space<hbm>>
      %dma_wait3A_128 = tpu.memref_slice %arg3[%add3A_126] : memref<323584xi32, #tpu.memory_space<hbm>> -> memref<128xi32, #tpu.memory_space<hbm>>
      tpu.wait_dma2 semaphore(%arg16 : memref<!tpu.dma_semaphore, #tpu.memory_space<semaphore_mem>>) src(%dma_wait3A_128 : memref<128xi32, #tpu.memory_space<hbm>>) dst(%arg7 : memref<128xi32, #tpu.memory_space<vmem>>)
      %mul3A_129 = arith.constant 128 : i32
      %mul3A_130 = arith.muli %add3A_123, %mul3A_129 : i32
      %add3A_131 = arith.addi %select_n3A_32, %mul3A_130 : i32
      %dma_wait3A_132 = tpu.memref_slice %arg4[%add3A_131] : memref<323584xi32, #tpu.memory_space<hbm>> -> memref<128xi32, #tpu.memory_space<hbm>>
      %dma_wait3A_133 = tpu.memref_slice %arg4[%add3A_131] : memref<323584xi32, #tpu.memory_space<hbm>> -> memref<128xi32, #tpu.memory_space<hbm>>
      tpu.wait_dma2 semaphore(%arg16 : memref<!tpu.dma_semaphore, #tpu.memory_space<semaphore_mem>>) src(%dma_wait3A_133 : memref<128xi32, #tpu.memory_space<hbm>>) dst(%arg9 : memref<128xi32, #tpu.memory_space<vmem>>)
      %dma_start3A_134 = arith.constant 0 : i32
      %dma_start3A_135 = arith.constant 0 : i32
      %dma_start3A_136 = tpu.memref_slice %arg2[%dma_start3A_134, %dma_start3A_135] : memref<10000x128xf32, #tpu.memory_space<hbm>> -> memref<10000x128xf32, #tpu.memory_space<hbm>>
      tpu.enqueue_indirect_dma source(%dma_start3A_136 : memref<10000x128xf32, #tpu.memory_space<hbm>>) target(%arg11 : memref<128x128xf32, #tpu.memory_space<vmem>>) offsets(%arg7 : memref<128xi32, #tpu.memory_space<vmem>>) semaphore(%arg18 : memref<!tpu.dma_semaphore, #tpu.memory_space<semaphore_mem>>)
      "tpu.region"() ({
        %run_scoped3A = tpu.sem_alloc : memref<!tpu.dma_semaphore, #tpu.memory_space<semaphore_mem>>
        %dma_start3A_140 = arith.constant 0 : i32
        %dma_start3A_141 = arith.constant 0 : i32
        %dma_start3A_142 = tpu.memref_slice %arg14[%dma_start3A_140, %dma_start3A_141] : memref<10240x128xf32, #tpu.memory_space<vmem_shared>> -> memref<10240x128xf32, #tpu.memory_space<vmem_shared>>
        tpu.enqueue_indirect_dma source(%arg12 : memref<128x128xf32, #tpu.memory_space<vmem>>) target(%dma_start3A_142 : memref<10240x128xf32, #tpu.memory_space<vmem_shared>>) offsets(%arg10 : memref<128xi32, #tpu.memory_space<vmem>>) semaphore(%run_scoped3A : memref<!tpu.dma_semaphore, #tpu.memory_space<semaphore_mem>>) {add = true}
        %dma_wait3A_143 = arith.constant 0 : i32
        %dma_wait3A_144 = arith.constant 0 : i32
        %dma_wait3A_145 = tpu.memref_slice %arg14[%dma_wait3A_143, %dma_wait3A_144] : memref<10240x128xf32, #tpu.memory_space<vmem_shared>> -> memref<10240x128xf32, #tpu.memory_space<vmem_shared>>
        tpu.wait_indirect_dma semaphore(%run_scoped3A : memref<!tpu.dma_semaphore, #tpu.memory_space<semaphore_mem>>) src(%arg12 : memref<128x128xf32, #tpu.memory_space<vmem>>) dst(%dma_wait3A_145 : memref<10240x128xf32, #tpu.memory_space<vmem_shared>>)
        tpu.yield
      }) : () -> ()
      "tpu.region"() ({
        %run_scoped3A = tpu.sem_alloc : memref<!tpu.dma_semaphore, #tpu.memory_space<semaphore_mem>>
        %dma_start3A_140 = arith.constant 0 : i32
        %dma_start3A_141 = arith.constant 0 : i32
        %dma_start3A_142 = tpu.memref_slice %arg15[%dma_start3A_140, %dma_start3A_141] : memref<10240x16xf32, #tpu.memory_space<vmem_shared>> -> memref<10240x16xf32, #tpu.memory_space<vmem_shared>>
        tpu.enqueue_indirect_dma source(%arg13 : memref<128x16xf32, #tpu.memory_space<vmem>>) target(%dma_start3A_142 : memref<10240x16xf32, #tpu.memory_space<vmem_shared>>) offsets(%arg10 : memref<128xi32, #tpu.memory_space<vmem>>) semaphore(%run_scoped3A : memref<!tpu.dma_semaphore, #tpu.memory_space<semaphore_mem>>) {add = true}
        %dma_wait3A_143 = arith.constant 0 : i32
        %dma_wait3A_144 = arith.constant 0 : i32
        %dma_wait3A_145 = tpu.memref_slice %arg15[%dma_wait3A_143, %dma_wait3A_144] : memref<10240x16xf32, #tpu.memory_space<vmem_shared>> -> memref<10240x16xf32, #tpu.memory_space<vmem_shared>>
        tpu.wait_indirect_dma semaphore(%run_scoped3A : memref<!tpu.dma_semaphore, #tpu.memory_space<semaphore_mem>>) src(%arg13 : memref<128x16xf32, #tpu.memory_space<vmem>>) dst(%dma_wait3A_145 : memref<10240x16xf32, #tpu.memory_space<vmem_shared>>)
        tpu.yield
      }) : () -> ()
      %sub3A_137 = arith.constant 1 : i32
      %sub3A_138 = arith.subi %select_n3A_62, %sub3A_137 : i32
      %lt3A = arith.cmpi slt, %add3A_86, %sub3A_138 : i32
      %convert_element_type3A = arith.extui %lt3A : i1 to i32
      %cond3A = arith.constant 0 : i32
      %cond3A_139 = arith.cmpi ne, %convert_element_type3A, %cond3A : i32
      scf.if %cond3A_139 {
        %add3A_140 = arith.constant 3 : i32
        %add3A_141 = arith.addi %mul3A_88, %add3A_140 : i32
        %mul3A_142 = arith.constant 128 : i32
        %mul3A_143 = arith.muli %add3A_141, %mul3A_142 : i32
        %add3A_144 = arith.addi %select_n3A_32, %mul3A_143 : i32
        %dma_start3A_145 = tpu.memref_slice %arg3[%add3A_144] : memref<323584xi32, #tpu.memory_space<hbm>> -> memref<128xi32, #tpu.memory_space<hbm>>
        %dma_start3A_146 = tpu.memref_slice %arg3[%add3A_144] : memref<323584xi32, #tpu.memory_space<hbm>> -> memref<128xi32, #tpu.memory_space<hbm>>
        tpu.enqueue_dma source(%dma_start3A_146 : memref<128xi32, #tpu.memory_space<hbm>>) target(%arg8 : memref<128xi32, #tpu.memory_space<vmem>>) target_semaphore(%arg17 : memref<!tpu.dma_semaphore, #tpu.memory_space<semaphore_mem>>)
        %mul3A_147 = arith.constant 128 : i32
        %mul3A_148 = arith.muli %add3A_141, %mul3A_147 : i32
        %add3A_149 = arith.addi %select_n3A_32, %mul3A_148 : i32
        %dma_start3A_150 = tpu.memref_slice %arg4[%add3A_149] : memref<323584xi32, #tpu.memory_space<hbm>> -> memref<128xi32, #tpu.memory_space<hbm>>
        %dma_start3A_151 = tpu.memref_slice %arg4[%add3A_149] : memref<323584xi32, #tpu.memory_space<hbm>> -> memref<128xi32, #tpu.memory_space<hbm>>
        tpu.enqueue_dma source(%dma_start3A_151 : memref<128xi32, #tpu.memory_space<hbm>>) target(%arg10 : memref<128xi32, #tpu.memory_space<vmem>>) target_semaphore(%arg17 : memref<!tpu.dma_semaphore, #tpu.memory_space<semaphore_mem>>)
      } else {
      }
    }
    %dma_wait3A = arith.constant 0 : i32
    %dma_wait3A_81 = arith.constant 0 : i32
    %dma_wait3A_82 = tpu.memref_slice %arg2[%dma_wait3A, %dma_wait3A_81] : memref<10000x128xf32, #tpu.memory_space<hbm>> -> memref<10000x128xf32, #tpu.memory_space<hbm>>
    tpu.wait_indirect_dma semaphore(%arg18 : memref<!tpu.dma_semaphore, #tpu.memory_space<semaphore_mem>>) src(%dma_wait3A_82 : memref<10000x128xf32, #tpu.memory_space<hbm>>) dst(%arg11 : memref<128x128xf32, #tpu.memory_space<vmem>>)
    "tpu.region"() ({
      %run_scoped3A = tpu.sem_alloc : memref<!tpu.dma_semaphore, #tpu.memory_space<semaphore_mem>>
      %dma_start3A_84 = arith.constant 0 : i32
      %dma_start3A_85 = arith.constant 0 : i32
      %dma_start3A_86 = tpu.memref_slice %arg14[%dma_start3A_84, %dma_start3A_85] : memref<10240x128xf32, #tpu.memory_space<vmem_shared>> -> memref<10240x128xf32, #tpu.memory_space<vmem_shared>>
      tpu.enqueue_indirect_dma source(%arg11 : memref<128x128xf32, #tpu.memory_space<vmem>>) target(%dma_start3A_86 : memref<10240x128xf32, #tpu.memory_space<vmem_shared>>) offsets(%arg9 : memref<128xi32, #tpu.memory_space<vmem>>) semaphore(%run_scoped3A : memref<!tpu.dma_semaphore, #tpu.memory_space<semaphore_mem>>) {add = true}
      %dma_wait3A_87 = arith.constant 0 : i32
      %dma_wait3A_88 = arith.constant 0 : i32
      %dma_wait3A_89 = tpu.memref_slice %arg14[%dma_wait3A_87, %dma_wait3A_88] : memref<10240x128xf32, #tpu.memory_space<vmem_shared>> -> memref<10240x128xf32, #tpu.memory_space<vmem_shared>>
      tpu.wait_indirect_dma semaphore(%run_scoped3A : memref<!tpu.dma_semaphore, #tpu.memory_space<semaphore_mem>>) src(%arg11 : memref<128x128xf32, #tpu.memory_space<vmem>>) dst(%dma_wait3A_89 : memref<10240x128xf32, #tpu.memory_space<vmem_shared>>)
      tpu.yield
    }) : () -> ()
    "tpu.region"() ({
      %run_scoped3A = tpu.sem_alloc : memref<!tpu.dma_semaphore, #tpu.memory_space<semaphore_mem>>
      %dma_start3A_84 = arith.constant 0 : i32
      %dma_start3A_85 = arith.constant 0 : i32
      %dma_start3A_86 = tpu.memref_slice %arg15[%dma_start3A_84, %dma_start3A_85] : memref<10240x16xf32, #tpu.memory_space<vmem_shared>> -> memref<10240x16xf32, #tpu.memory_space<vmem_shared>>
      tpu.enqueue_indirect_dma source(%arg13 : memref<128x16xf32, #tpu.memory_space<vmem>>) target(%dma_start3A_86 : memref<10240x16xf32, #tpu.memory_space<vmem_shared>>) offsets(%arg9 : memref<128xi32, #tpu.memory_space<vmem>>) semaphore(%run_scoped3A : memref<!tpu.dma_semaphore, #tpu.memory_space<semaphore_mem>>) {add = true}
      %dma_wait3A_87 = arith.constant 0 : i32
      %dma_wait3A_88 = arith.constant 0 : i32
      %dma_wait3A_89 = tpu.memref_slice %arg15[%dma_wait3A_87, %dma_wait3A_88] : memref<10240x16xf32, #tpu.memory_space<vmem_shared>> -> memref<10240x16xf32, #tpu.memory_space<vmem_shared>>
      tpu.wait_indirect_dma semaphore(%run_scoped3A : memref<!tpu.dma_semaphore, #tpu.memory_space<semaphore_mem>>) src(%arg13 : memref<128x16xf32, #tpu.memory_space<vmem>>) dst(%dma_wait3A_89 : memref<10240x16xf32, #tpu.memory_space<vmem_shared>>)
      tpu.yield
    }) : () -> ()
    %barrier3A_83 = arith.constant 0 : index
    tpu.barrier barrier_id(%barrier3A_83)
    "tpu.region"() ({
      %run_scoped3A = tpu.sem_alloc : memref<!tpu.dma_semaphore, #tpu.memory_space<semaphore_mem>>
      %dma_start3A_84 = arith.constant 0 : i32
      %dma_start3A_85 = tpu.memref_slice %arg5[%arg0, %mul3A_14, %dma_start3A_84] : memref<2x10240x128xf32, #tpu.memory_space<hbm>> -> memref<1x640x128xf32, #tpu.memory_space<hbm>>
      %dma_start3A_86 = tpu.memref_squeeze %dma_start3A_85 : memref<1x640x128xf32, #tpu.memory_space<hbm>> -> memref<640x128xf32, #tpu.memory_space<hbm>>
      %dma_start3A_87 = arith.constant 0 : i32
      %dma_start3A_88 = tpu.memref_slice %arg14[%mul3A_14, %dma_start3A_87] : memref<10240x128xf32, #tpu.memory_space<vmem_shared>> -> memref<640x128xf32, #tpu.memory_space<vmem_shared>>
      tpu.enqueue_dma source(%dma_start3A_88 : memref<640x128xf32, #tpu.memory_space<vmem_shared>>) target(%dma_start3A_86 : memref<640x128xf32, #tpu.memory_space<hbm>>) target_semaphore(%run_scoped3A : memref<!tpu.dma_semaphore, #tpu.memory_space<semaphore_mem>>)
      %dma_wait3A_89 = arith.constant 0 : i32
      %dma_wait3A_90 = tpu.memref_slice %arg5[%arg0, %mul3A_14, %dma_wait3A_89] : memref<2x10240x128xf32, #tpu.memory_space<hbm>> -> memref<1x640x128xf32, #tpu.memory_space<hbm>>
      %dma_wait3A_91 = tpu.memref_squeeze %dma_wait3A_90 : memref<1x640x128xf32, #tpu.memory_space<hbm>> -> memref<640x128xf32, #tpu.memory_space<hbm>>
      %dma_wait3A_92 = arith.constant 0 : i32
      %dma_wait3A_93 = tpu.memref_slice %arg14[%mul3A_14, %dma_wait3A_92] : memref<10240x128xf32, #tpu.memory_space<vmem_shared>> -> memref<640x128xf32, #tpu.memory_space<vmem_shared>>
      tpu.wait_dma2 semaphore(%run_scoped3A : memref<!tpu.dma_semaphore, #tpu.memory_space<semaphore_mem>>) src(%dma_wait3A_93 : memref<640x128xf32, #tpu.memory_space<vmem_shared>>) dst(%dma_wait3A_91 : memref<640x128xf32, #tpu.memory_space<hbm>>)
      tpu.yield
    }) : () -> ()
    "tpu.region"() ({
      %run_scoped3A = tpu.sem_alloc : memref<!tpu.dma_semaphore, #tpu.memory_space<semaphore_mem>>
      %dma_start3A_84 = arith.constant 0 : i32
      %dma_start3A_85 = tpu.memref_slice %arg6[%arg0, %mul3A_14, %dma_start3A_84] : memref<2x10240x16xf32, #tpu.memory_space<hbm>> -> memref<1x640x16xf32, #tpu.memory_space<hbm>>
      %dma_start3A_86 = tpu.memref_squeeze %dma_start3A_85 : memref<1x640x16xf32, #tpu.memory_space<hbm>> -> memref<640x16xf32, #tpu.memory_space<hbm>>
      %dma_start3A_87 = arith.constant 0 : i32
      %dma_start3A_88 = tpu.memref_slice %arg15[%mul3A_14, %dma_start3A_87] : memref<10240x16xf32, #tpu.memory_space<vmem_shared>> -> memref<640x16xf32, #tpu.memory_space<vmem_shared>>
      tpu.enqueue_dma source(%dma_start3A_88 : memref<640x16xf32, #tpu.memory_space<vmem_shared>>) target(%dma_start3A_86 : memref<640x16xf32, #tpu.memory_space<hbm>>) target_semaphore(%run_scoped3A : memref<!tpu.dma_semaphore, #tpu.memory_space<semaphore_mem>>)
      %dma_wait3A_89 = arith.constant 0 : i32
      %dma_wait3A_90 = tpu.memref_slice %arg6[%arg0, %mul3A_14, %dma_wait3A_89] : memref<2x10240x16xf32, #tpu.memory_space<hbm>> -> memref<1x640x16xf32, #tpu.memory_space<hbm>>
      %dma_wait3A_91 = tpu.memref_squeeze %dma_wait3A_90 : memref<1x640x16xf32, #tpu.memory_space<hbm>> -> memref<640x16xf32, #tpu.memory_space<hbm>>
      %dma_wait3A_92 = arith.constant 0 : i32
      %dma_wait3A_93 = tpu.memref_slice %arg15[%mul3A_14, %dma_wait3A_92] : memref<10240x16xf32, #tpu.memory_space<vmem_shared>> -> memref<640x16xf32, #tpu.memory_space<vmem_shared>>
      tpu.wait_dma2 semaphore(%run_scoped3A : memref<!tpu.dma_semaphore, #tpu.memory_space<semaphore_mem>>) src(%dma_wait3A_93 : memref<640x16xf32, #tpu.memory_space<vmem_shared>>) dst(%dma_wait3A_91 : memref<640x16xf32, #tpu.memory_space<hbm>>)
      tpu.yield
    }) : () -> ()
    return
  }
}

module attributes {stable_mosaic.version = 14 : i64} {
  func.func @_tc_body(%arg0: i32, %arg1: memref<2x1024x128xf32, #tpu.memory_space<vmem>>, %arg2: memref<2x1024x16xf32, #tpu.memory_space<vmem>>, %arg3: memref<128x128xf32, #tpu.memory_space<vmem>>, %arg4: memref<1x128xf32, #tpu.memory_space<vmem>>, %arg5: memref<1024x128xf32, #tpu.memory_space<vmem>>) attributes {dimension_semantics = [#tpu.dimension_semantics<arbitrary>], iteration_bounds = array<i64: 10>, scalar_prefetch = 0 : i64, scratch_operands = 0 : i64, tpu.core_type = #tpu.core_type<tc>, window_params = [{transform_indices = @transform_0, window_bounds = array<i64: 2, 1024, 128>}, {transform_indices = @transform_1, window_bounds = array<i64: 2, 1024, 16>}, {pipeline_mode = #tpu.pipeline_mode<synchronous>, transform_indices = @transform_2, window_bounds = array<i64: 128, 128>}, {pipeline_mode = #tpu.pipeline_mode<synchronous>, transform_indices = @transform_3, window_bounds = array<i64: 1, 128>}, {transform_indices = @transform_4, window_bounds = array<i64: 1024, 128>}]} {
    %get3A = arith.constant 0 : index
    %get3A_0 = arith.constant 0 : index
    %get3A_1 = arith.constant 0 : index
    %get3A_2 = vector.load %arg1[%get3A, %get3A_0, %get3A_1] : memref<2x1024x128xf32, #tpu.memory_space<vmem>>, vector<1x1024x128xf32>
    %get3A_3 = vector.shape_cast %get3A_2 : vector<1x1024x128xf32> to vector<1024x128xf32>
    %get3A_4 = arith.constant 1 : index
    %get3A_5 = arith.constant 0 : index
    %get3A_6 = arith.constant 0 : index
    %get3A_7 = vector.load %arg1[%get3A_4, %get3A_5, %get3A_6] : memref<2x1024x128xf32, #tpu.memory_space<vmem>>, vector<1x1024x128xf32>
    %get3A_8 = vector.shape_cast %get3A_7 : vector<1x1024x128xf32> to vector<1024x128xf32>
    %add3A = arith.addf %get3A_3, %get3A_8 : vector<1024x128xf32>
    %get3A_9 = arith.constant 0 : index
    %get3A_10 = arith.constant 0 : index
    %get3A_11 = arith.constant 0 : index
    %get3A_12 = vector.load %arg2[%get3A_9, %get3A_10, %get3A_11] : memref<2x1024x16xf32, #tpu.memory_space<vmem>>, vector<1x1024x1xf32>
    %get3A_13 = vector.shape_cast %get3A_12 : vector<1x1024x1xf32> to vector<1024x1xf32>
    %get3A_14 = arith.constant 1 : index
    %get3A_15 = arith.constant 0 : index
    %get3A_16 = arith.constant 0 : index
    %get3A_17 = vector.load %arg2[%get3A_14, %get3A_15, %get3A_16] : memref<2x1024x16xf32, #tpu.memory_space<vmem>>, vector<1x1024x1xf32>
    %get3A_18 = vector.shape_cast %get3A_17 : vector<1x1024x1xf32> to vector<1024x1xf32>
    %add3A_19 = arith.addf %get3A_13, %get3A_18 : vector<1024x1xf32>
    %max3A = arith.constant 1.000000e+00 : f32
    %max3A_20 = vector.broadcast %max3A : f32 to vector<1024x1xf32>
    %max3A_21 = arith.maximumf %add3A_19, %max3A_20 : vector<1024x1xf32>
    %div3A = vector.broadcast %max3A_21 : vector<1024x1xf32> to vector<1024x128xf32>
    %div3A_22 = arith.divf %add3A, %div3A : vector<1024x128xf32>
    %get3A_23 = arith.constant 0 : index
    %get3A_24 = arith.constant 0 : index
    %get3A_25 = vector.load %arg3[%get3A_23, %get3A_24] : memref<128x128xf32, #tpu.memory_space<vmem>>, vector<128x128xf32>
    %dot_general3A = arith.constant dense<0.000000e+00> : vector<1024x128xf32>
    %dot_general3A_26 = tpu.matmul %div3A_22, %get3A_25, %dot_general3A {dimension_numbers = #tpu.dot_dimension_numbers<[1], [1], [0], [0], [0, 0, 1, 0], [], []>, transpose_lhs_hint = false} : vector<1024x128xf32>, vector<128x128xf32>, vector<1024x128xf32> -> vector<1024x128xf32>
    %get3A_27 = arith.constant 0 : index
    %get3A_28 = arith.constant 0 : index
    %get3A_29 = vector.load %arg4[%get3A_27, %get3A_28] : memref<1x128xf32, #tpu.memory_space<vmem>>, vector<1x128xf32>
    %min3A = arith.constant 1.000000e+00 : f32
    %min3A_30 = vector.broadcast %min3A : f32 to vector<1024x1xf32>
    %min3A_31 = arith.minimumf %add3A_19, %min3A_30 : vector<1024x1xf32>
    %mul3A = vector.broadcast %get3A_29 : vector<1x128xf32> to vector<1024x128xf32>
    %mul3A_32 = vector.broadcast %min3A_31 : vector<1024x1xf32> to vector<1024x128xf32>
    %mul3A_33 = arith.mulf %mul3A, %mul3A_32 : vector<1024x128xf32>
    %add3A_34 = arith.addf %dot_general3A_26, %mul3A_33 : vector<1024x128xf32>
    %max3A_35 = arith.constant 0.000000e+00 : f32
    %max3A_36 = vector.broadcast %max3A_35 : f32 to vector<1024x128xf32>
    %max3A_37 = arith.maximumf %add3A_34, %max3A_36 : vector<1024x128xf32>
    %swap3A = arith.constant 0 : index
    %swap3A_38 = arith.constant 0 : index
    %swap3A_39 = vector.load %arg5[%swap3A, %swap3A_38] : memref<1024x128xf32, #tpu.memory_space<vmem>>, vector<1024x128xf32>
    tpu.vector_store %arg5[%swap3A, %swap3A_38], %max3A_37 {strides = array<i32>} : memref<1024x128xf32, #tpu.memory_space<vmem>>, vector<1024x128xf32>,
    return
  }
  func.func @transform_0(%arg0: i32) -> (i32, i32, i32) {
    %c0_i32 = arith.constant 0 : i32
    %c0_i32_0 = arith.constant 0 : i32
    %c0_i32_1 = arith.constant 0 : i32
    return %c0_i32, %arg0, %c0_i32_0 : i32, i32, i32
  }
  func.func @transform_1(%arg0: i32) -> (i32, i32, i32) {
    %c0_i32 = arith.constant 0 : i32
    %c0_i32_0 = arith.constant 0 : i32
    %c0_i32_1 = arith.constant 0 : i32
    return %c0_i32, %arg0, %c0_i32_0 : i32, i32, i32
  }
  func.func @transform_2(%arg0: i32) -> (i32, i32) {
    %c0_i32 = arith.constant 0 : i32
    %c0_i32_0 = arith.constant 0 : i32
    %c0_i32_1 = arith.constant 0 : i32
    return %c0_i32, %c0_i32_0 : i32, i32
  }
  func.func @transform_3(%arg0: i32) -> (i32, i32) {
    %c0_i32 = arith.constant 0 : i32
    %c0_i32_0 = arith.constant 0 : i32
    %c0_i32_1 = arith.constant 0 : i32
    return %c0_i32, %c0_i32_0 : i32, i32
  }
  func.func @transform_4(%arg0: i32) -> (i32, i32) {
    %c0_i32 = arith.constant 0 : i32
    %c0_i32_0 = arith.constant 0 : i32
    return %arg0, %c0_i32 : i32, i32
  }
}

</mosaic_0001>

<sc_bundles>
// kernel: kernel.4.cloned.1.call-start
scs
__scs_entry_jumppad:
0x0: {  	(pc) =	sbr.rel $0x88, $3  }
0x1: {  	(tag) =	ssettag $0x0;
	lr =	simm.s32 $0x1  }
0x2: {  	[smem:$0x3F9D] =	sst lr;
	_ =	strace $0xD0000000  }
0x3: {  	_ = 	snop  }
0x4: {  	_ = 	snop  }
0x5: {  	_ = 	snop  }
0x6: {  	_ = 	snop  }
0x7: {  	_ = 	snop  }
__scs_overlays_trampoline_lowered:
0x8: {  	[smem:$0x3FAC] =	sst s0  }
0x9: {  	[smem:$0x3FAD] =	sst s1  }
0xa: {  	[smem:$0x3FAE] =	sst s2  }
0xb: {  	[smem:$0x3FAF] =	sst s3  }
0xc: {  	[smem:$0x3FB0] =	sst s4  }
0xd: {  	[smem:$0x3FB1] =	sst s5  }
0xe: {  	[smem:$0x3FB2] =	sst s6  }
0xf: {  	[smem:$0x3FB3] =	sst s7  }
0x10: {  	[smem:$0x3FB4] =	sst s8  }
0x11: {  	[smem:$0x3FB5] =	sst s9;
	s0 =	simm.s32 @!p0 $0x0  }
0x12: {  	s1 =	sld [smem:$0x3F9B];
	s0 =	simm.s32 @p0 $0x1  }
0x13: {  	[smem:$0x3FB6] =	sst s0;
	s0 =	simm.s32 @!p1 $0x0  }
0x14: {  	s2 =	sld [smem:$0x3F9A];
	s0 =	simm.s32 @p1 $0x1  }
0x15: {  	[smem:$0x3FB7] =	sst s0;
	s0 =	simm.s32 @!p2 $0x0  }
0x16: {  	s3 =	sld [smem:$0x3FDB];
	s0 =	simm.s32 @p2 $0x1  }
0x17: {  	s4 =	simm.s32 $0x1BF5;
	[smem:$0x3FB9] =	sst s0  }
0x18: {  	s0 =	sld [smem:$0x3F9C];
	_ =	swait.ge [sflag:s4], $0x0  }
0x19: {  	s7 =	sld [smem:$0x3F9D]  }
0x1a: {  	s8 =	sadd.s32 $0xFFFFE003, lr  }
0x1b: {  	s9 =	sadd.s32 $0xFFFFFEF7, lr;
	s5 =	simm.s32 $0xFFFFFFFF;
	p2 =	slt.u32 s8, $0xFFFFF086  }
0x1c: {  	p1 =	slt.u32 s9, $0xF7A;
	s5 =	simm.s32 @!p2 $0x0  }
0x1d: {  	s5 =	simm.s32 @p1 $0x1;
	p0 =	seq.s32 s7, s2  }
0x1e: {  	s7 =	smul.u32 @!p0 $0xF7A, s2;
	p2 =	seq.s32 @!p0 s5, $0x0  }
0x1f: {  	s9 =	smul.u32 $0xF7A, s1;
	s8 =	simm.s32 @!p0 $0x1BF5;
	p2 =	por !p2, p0  }
0x20: {  	[sflag:s8] =	ssyncset.s32 @!p0 $0xFFFFF086;
	s6 =	sadd.s32 @!p0 s3, s7;
	s7 =	simm.s32 @!p0 $0x108  }
0x21: {  	s3 =	sadd.s32 s3, s9;
	s6 =	sadd.s32 @!p0 $0x88, s6;
	s7 =	simm.s32 @p2 $0x1082  }
0x22: {  	[simem:s7], [sflag:s8] =	dma.local @!p0 [hbm:s6], $0xF7A  }
0x23: {  	s9 =	sor.u32 $0xD0000000, s2;
	s6 =	simm.s32 $0x108;
	_ =	swait.ge @!p0 [sflag:s8], $0x0  }
0x24: {  	s3 =	sadd.s32 $0x88, s3;
	s6 =	simm.s32 @!p1 $0x1082;
	[sflag:s4] =	ssyncset.s32 $0xFFFFF086  }
0x25: {  	[simem:s6], [sflag:s4] =	dma.local [hbm:s3], $0xF7A  }
0x26: {  	[smem:$0x3F9D] =	sst s1;
	(tag) =	ssettag s2;
	_ =	strace s9  }
0x27: {  	s1 =	sld [smem:$0x3FAD]  }
0x28: {  	s2 =	sld [smem:$0x3FAE]  }
0x29: {  	s4 =	sld [smem:$0x3FB0]  }
0x2a: {  	p0 =	seq.s32 s5, $0x0;
	s5 =	sld [smem:$0x3FB1]  }
0x2b: {  	s6 =	sld [smem:$0x3FB2]  }
0x2c: {  	s7 =	sld [smem:$0x3FB3]  }
0x2d: {  	s3 =	simm.s32 $0x108;
	s8 =	sld [smem:$0x3FB4]  }
0x2e: {  	s3 =	simm.s32 @!p0 $0x1082;
	s9 =	sld [smem:$0x3FB5]  }
0x2f: {  	lr =	sadd.s32 s0, s3;
	s0 =	sld [smem:$0x3FAC]  }
0x30: {  	s3 =	sld [smem:$0x3FAF]  }
0x31: {  	[smem:$0x3FB8] =	sst s10  }
0x32: {  	s10 =	sld [smem:$0x3FB6];
	_ =	sdelay $0x3  }
0x33: {  	p0 =	seq.s32 s10, $0x1;
	s10 =	sld [smem:$0x3FB8];
	_ =	sdelay $0x3  }
0x34: {  	[smem:$0x3FB8] =	sst s10  }
0x35: {  	s10 =	sld [smem:$0x3FB7];
	_ =	sdelay $0x3  }
0x36: {  	p1 =	seq.s32 s10, $0x1;
	s10 =	sld [smem:$0x3FB8];
	_ =	sdelay $0x3  }
0x37: {  	[smem:$0x3FB8] =	sst s10  }
0x38: {  	s10 =	sld [smem:$0x3FB9]  }
0x39: {  	_ = 	snop;
	(pc) =	sbr.ind lr, $3  }
0x3a: {  	_ = 	snop  }
0x3b: {  	_ = 	snop  }
0x3c: {  	p2 =	seq.s32 s10, $0x1;
	s10 =	sld [smem:$0x3FB8]  }
0x3d: {  	_ =	shalt  }
0x3e: {  	_ =	shalt  }
0x3f: {  	_ =	shalt  }
0x40: {  	_ =	shalt  }
0x41: {  	_ =	shalt  }
0x42: {  	_ =	shalt  }
0x43: {  	_ =	shalt  }
0x44: {  	_ =	shalt  }
0x45: {  	_ =	shalt  }
0x46: {  	_ =	shalt  }
0x47: {  	_ =	shalt  }
0x48: {  	_ =	shalt  }
0x49: {  	_ =	shalt  }
0x4a: {  	_ =	shalt  }
0x4b: {  	_ =	shalt  }
0x4c: {  	_ =	shalt  }
0x4d: {  	_ =	shalt  }
0x4e: {  	_ =	shalt  }
0x4f: {  	_ =	shalt  }
0x50: {  	_ =	shalt  }
0x51: {  	_ =	shalt  }
0x52: {  	_ =	shalt  }
0x53: {  	_ =	shalt  }
0x54: {  	_ =	shalt  }
0x55: {  	_ =	shalt  }
0x56: {  	_ =	shalt  }
0x57: {  	_ =	shalt  }
0x58: {  	_ =	shalt  }
0x59: {  	_ =	shalt  }
0x5a: {  	_ =	shalt  }
0x5b: {  	_ =	shalt  }
0x5c: {  	_ =	shalt  }
0x5d: {  	_ =	shalt  }
0x5e: {  	_ =	shalt  }
0x5f: {  	_ =	shalt  }
0x60: {  	_ =	shalt  }
0x61: {  	_ =	shalt  }
0x62: {  	_ =	shalt  }
0x63: {  	_ =	shalt  }
0x64: {  	_ =	shalt  }
0x65: {  	_ =	shalt  }
0x66: {  	_ =	shalt  }
0x67: {  	_ =	shalt  }
0x68: {  	_ =	shalt  }
0x69: {  	_ =	shalt  }
0x6a: {  	_ =	shalt  }
0x6b: {  	_ =	shalt  }
0x6c: {  	_ =	shalt  }
0x6d: {  	_ =	shalt  }
0x6e: {  	_ =	shalt  }
0x6f: {  	_ =	shalt  }
0x70: {  	_ =	shalt  }
0x71: {  	_ =	shalt  }
0x72: {  	_ =	shalt  }
0x73: {  	_ =	shalt  }
0x74: {  	_ =	shalt  }
0x75: {  	_ =	shalt  }
0x76: {  	_ =	shalt  }
0x77: {  	_ =	shalt  }
0x78: {  	_ =	shalt  }
0x79: {  	_ =	shalt  }
0x7a: {  	_ =	shalt  }
0x7b: {  	_ =	shalt  }
0x7c: {  	_ =	shalt  }
0x7d: {  	_ =	shalt  }
0x7e: {  	_ =	shalt  }
0x7f: {  	_ =	shalt  }
0x80: {  	_ =	shalt  }
0x81: {  	_ =	shalt  }
0x82: {  	_ =	shalt  }
0x83: {  	_ =	shalt  }
0x84: {  	_ =	shalt  }
0x85: {  	_ =	shalt  }
0x86: {  	_ =	shalt  }
0x87: {  	_ =	shalt  }
.Lfunc_end0:
.L_simem_size_0:
called_computation_lowered:
.L_overlay_start_0:
0x88: {  	s2 =	sld [smem:$0x3FD9]  }
0x89: {  	s3 =	sld [smem:$0x3FFE];
	_ =	sdelay $0x1  }
0x8a: {  	s1 =	srdreg.scid  }
0x8b: {  	s0 =	sand.u32 $0x1, s1  }
0x8c: {  	s17 =	sshll.u32 s0, $0xA;
	s2 =	sadd.s32 s3, s2  }
0x8d: {  	s2 =	sadd.s32 s2, s17  }
0x8e: {  	[smem:$0x3FC4] =	sst s2  }
0x8f: {  	_ = 	snop  }
0x90: {  	s2 =	sld [smem:$0x3FC9]  }
0x91: {  	s18 =	sld [smem:$0x3FD0];
	(tm) =	ssettm $0x1  }
0x92: {  	s4 =	sld [smem:$0x3FFB];
	_ =	sdelay $0x3  }
0x93: {  	_ =	strace s4  }
0x94: {  	s4 =	sld [smem:$0x3FFC];
	_ =	sdelay $0x3  }
0x95: {  	_ =	strace s4  }
0x96: {  	s4 =	sld [smem:$0x3FFD];
	_ =	sdelay $0x3  }
0x97: {  	_ =	strace s4  }
0x98: {  	_ =	strace $0x8FFFFFFF  }
0x99: {  	s19 =	sld [smem:$0x3FDB];
	_ =	sdelay $0x1  }
0x9a: {  	s5 =	simm.s32 $_scs_section_size  }
0x9b: {  	s6 =	simm.s32 $_size__tile_overlayer_lowered;
	s7 =	simm.s32 $_tile_overlayer_lowered  }
0x9c: {  	s22 =	simm.s32 $0x1BFF;
	s21 =	sshll.u32 s7, $0x1;
	s4 =	sadd.s32 s5, s19  }
0x9d: {  	s8 =	simm.s32 $0x0;
	s20 =	sshll.u32 s6, $0x1;
	s6 =	sadd.s32 s21, s4  }
0x9e: {  	[timem:s8], [sflag:s22] =	dma.local [hbm:s6], s20  }
0x9f: {  	_ =	swait.ge [sflag:s22], s20  }
0xa0: {  	s5 =	ssub.s32 $0x0, s20;
	[sflag:s22] =	ssyncset.done $0x0  }
0xa1: {  	[sflag:s22] =	ssyncadd.s32 s5;
	_ =	sdelay $0x1  }
0xa2: {  	s23 =	simm.s32 $0x1B8B  }
0xa3: {  	_ =	swait.ge [sflag:s23], $0x1  }
0xa4: {  	[sflag:s23] =	ssyncset.done $0x0  }
0xa5: {  	s25 =	simm.s32 $0x1B8E;
	s24 =	sld [smem:$0x3FFE];
	[sflag:s23] =	ssyncadd.s32 $0xFFFFFFFF  }
0xa6: {  	s26 =	simm.s32 $execute0_lowered;
	[smem:$0x3FD2] =	sst s25  }
0xa7: {  	s6 =	sshll.u32 s26, $0x1;
	_ =	strace $0x80000046;
	[dreg:$0x1] =	wrdreg $0xFFFFFFFF  }
0xa8: {  	s28 =	simm.s32 $_size_execute0_lowered;
	s4 =	sadd.s32 s4, s6;
	[dreg:$0x0] =	wrdreg $0x0  }
0xa9: {  	s6 =	sshll.u32 s28, $0x1;
	[dreg:$0x2] =	wrdreg s4  }
0xaa: {  	[dreg:$0x3] =	wrdreg s6  }
0xab: {  	[dreg:$0x4] =	wrdreg $0xC0  }
0xac: {  	_ =	task [dreg:s8], $0x5FFFF  }
0xad: {  	[dreg:$0x1] =	wrdreg $0xFFFFFFFF  }
0xae: {  	[dreg:$0x0] =	wrdreg $0x60  }
0xaf: {  	[dreg:$0x2] =	wrdreg s2  }
0xb0: {  	[dreg:$0x3] =	wrdreg s24  }
0xb1: {  	[dreg:$0x4] =	wrdreg s18  }
0xb2: {  	[dreg:$0x5] =	wrdreg $0x8A000  }
0xb3: {  	[dreg:$0x6] =	wrdreg $0x1CA000  }
0xb4: {  	[dreg:$0x7] =	wrdreg $0x9  }
0xb5: {  	_ =	task.clear_ibuf [dreg:s8], $0x8FFFF;
	_ =	strace $0x90000046  }
0xb6: {  	s29 =	simm.s32 $0x9;
	_ =	strace $0x80000048  }
0xb7: {  	_ =	swait.ge [sflag:s29], $0x1  }
0xb8: {  	[sflag:s29] =	ssyncadd.s32 $0xFFFFFFFF  }
0xb9: {  	_ =	strace $0x90000048  }
0xba: {  	_ =	sfence  }
0xbb: {  	s30 =	sld [smem:$0x0];
	_ =	sdelay $0x2  }
0xbc: {  	s31 =	sshll.u32 s1, $0xD;
	s1 =	sshrl.u32 s1, $0x2  }
0xbd: {  	s3 =	sand.u32 $0x4000, s31;
	s1 =	sadd.s32 s1, s30  }
0xbe: {  	s0 =	sor.u32 s3, s0;
	s1 =	sshll.u32 s1, $0x11  }
0xbf: {  	s0 =	sor.u32 s1, s0  }
0xc0: {  	s0 =	sadd.s32 $0x8F2B, s0  }
0xc1: {  	[sflag:s0] =	ssyncadd.remote.s32 $0x1  }
0xc2: {  	_ =	sfence.sel $0xFFFF  }
0xc3: {  	[dreg:$0x0] =	wrdreg $0xFFFFFFFF;
	(pc) =	sbr.abs _section_cstart, $3  }
0xc4: {  	[dreg:$0x1] =	wrdreg $0xFFFFFFFF  }
0xc5: {  	_ =	task.clear_ibuf [dreg:s8], $0x2FFFF;
	_ =	strace $0x9FFFFFFF  }
0xc6: {  	(tm) =	ssettm $0x7FFFFFFF  }
0xc7: {  	_ =	shalt  }
tec
execute0_lowered:
.L_overlay_start_1:
0x0: {  	(tag) =	ssettag $0x1  }
0x1: {  	s1 =	rddreg [dreg:$0x0]  }
0x2: {  	s0 =	rddreg [dreg:$0x1];
	s17 =	stileid.u32  }
0x3: {  	s4 =	rddreg [dreg:$0x2];
	s10 =	smul.u32 $0x14000, s17  }
0x4: {  	s2 =	rddreg [dreg:$0x3];
	s11 =	smul.u32 $0x880, s17  }
0x5: {  	s3 =	rddreg [dreg:$0x4];
	s12 =	smul.u32 $0x4680, s17  }
0x6: {  	s5 =	srdreg.scid;
	s16 =	smul.u32 $0x2800, s17  }
0x7: {  	s30 =	simm.s32 $0x200;
	s31 =	simm.s32 $0x5;
	s24 =	smul.u32 $0x50000, s17  }
0x8: {  	s8 =	sand.u32 $0x1, s5;
	s5 =	simm.s32 $0x0;
	s25 =	smul.u32 $0xA000, s17  }
0x9: {  	s6 =	sadd.s32 $0xA400, s0;
	s7 =	sadd.s32 $0x600, s0;
	s9 =	smul.u32 $0x140000, s8  }
0xa: {  	[smem:$0x7FF] =	sst s5;
	s13 =	ssub.s32 $0x2, s8;
	p0 =	seq.s32 s8, $0x0  }
0xb: {  	s8 =	smul.u32 $0x28000, s8;
	_ =	strace $0x80000047;
	s11 =	sadd.s32 $0x46800, s11  }
0xc: {  	s14 =	sshrl.u32 s13, $0x1;
	s9 =	sadd.s32 s10, s9;
	s11 =	smov.u32 @p0 s12  }
0xd: {  	s19 =	ssub.s32 s13, s14;
	s14 =	smul.u32 $0x280, s17;
	s23 =	sadd.s32 s16, s8  }
0xe: {  	s10 =	sadd.s32 s10, s2;
	s8 =	sshrl.u32 s24, $0x2;
	s12 =	sshrl.u32 s25, $0x2  }
0xf: {  	s9 =	sshrl.u32 s9, $0x3;
	s20 =	sshrl.u32 s11, $0x3;
	s26 =	smax.u32 s19, $0x1  }
0x10: {  	s28 =	sshrl.u32 s10, $0x3;
	s10 =	simm.s32 $0x180;
	s0 =	sadd.s32 s9, s0  }
0x11: {  	s21 =	sadd.s32 s6, s20;
	s9 =	simm.s32 $0x46;
	[dreg:$0xd] =	wrdreg s26  }
0x12: {  	s15 =	sadd.s32 s7, s20;
	s13 =	sadd.s32 $0x10, s20;
	[dreg:$0x7] =	wrdreg s21  }
0x13: {  	s20 =	sadd.s32 $0x180, s14;
	s24 =	sadd.s32 $0x200, s14;
	[dreg:$0x8] =	wrdreg s15  }
0x14: {  	s9 =	simm.s32 @!p0 $0x8;
	s18 =	sadd.s32 s6, s13;
	s13 =	sadd.s32 s7, s13  }
0x15: {  	s0 =	sadd.s32 $0x14200, s0;
	s15 =	sadd.s32 s12, s3;
	[dreg:$0x9] =	wrdreg s18  }
0x16: {  	s25 =	sshll.u32 s20, $0x4;
	s26 =	sshll.u32 s24, $0x7;
	[dreg:$0xa] =	wrdreg s13  }
0x17: {  	s12 =	simm.s32 $0x2;
	s22 =	sadd.s32 $0xFFFFFFFF, s9;
	[dreg:$0xb] =	wrdreg s0  }
0x18: {  	s0 =	sshrl.u32 s23, $0x3;
	s13 =	sadd.s32 $0x80, s14;
	[dreg:$0xf] =	wrdreg s15  }
0x19: {  	s18 =	sadd.s32 $0x100, s14;
	s14 =	simm.s32 $0x4;
	s15 =	simm.s32 $0x1  }
0x1a: {  	[dreg:$0x6] =	wrdreg s22;
	s0 =	sadd.s32 s4, s0;
	s4 =	sadd.s32 s8, s2  }
0x1b: {  	s17 =	sshll.u32 s13, $0x4;
	s19 =	sshll.u32 s18, $0x7;
	s21 =	sshll.u32 s18, $0x4  }
0x1c: {  	s22 =	sshll.u32 s20, $0x7;
	[dreg:$0xc] =	wrdreg s0;
	s0 =	sadd.s32 s16, s3  }
0x1d: {  	[dreg:$0xe] =	wrdreg s4;
	s16 =	sshll.u32 s13, $0x7;
	s23 =	sadd.s32 s22, s2  }
0x1e: {  	s8 =	simm.s32 $0x80;
	s4 =	sadd.s32 s16, s2;
	[dreg:$0x14] =	wrdreg s23  }
0x1f: {  	s13 =	simm.s32 $0x4200;
	[dreg:$0x10] =	wrdreg s4;
	s4 =	sadd.s32 s17, s3  }
0x20: {  	s23 =	sadd.s32 s25, s3;
	[dreg:$0x11] =	wrdreg s4;
	s4 =	sadd.s32 s19, s2  }
0x21: {  	s29 =	sshrl.u32 s0, $0x3;
	[dreg:$0x12] =	wrdreg s4;
	s4 =	sadd.s32 s21, s3  }
0x22: {  	s0 =	simm.s32 $0x8200;
	s16 =	simm.s32 $0x0;
	[dreg:$0x13] =	wrdreg s4  }
0x23: {  	s4 =	sshll.u32 s24, $0x4;
	s24 =	sadd.s32 s26, s2;
	s26 =	sadd.s32 $0x180, s11  }
0x24: {  	v0 =	vimm.f32 $0.0e+00;
	v1 =	vimm.f32 $1.000000000e+00;
	s11 =	simm.s32 $0x3;
	s25 =	sadd.s32 s4, s3;
	s4 =	simm.s32 $0x100  }
.LBB2_1:
0x25: {  	s17 =	simm.s32 $0x0;
	s18 =	simm.s32 $0x0  }
.LBB2_2:
0x26: {  	p0 =	sne.s32 s18, $0xFFC0  }
.Ltmp0:
0x27: {  	_ = 	snop;
	(pc) =	sbr.rel @p0 .LBB2_2-.Ltmp0, $4  }
0x28: {  	s19 =	sand.u32 $0xFE00, s18  }
0x29: {  	s20 =	sand.u32 $0x70, s17;
	s19 =	sshrl.u32 s19, $0x2  }
0x2a: {  	s19 =	sor.u32 s20, s19  }
0x2b: {  	s17 =	sadd.s32 $0x10, s17;
	s18 =	sadd.s32 $0x40, s18;
	[tilespmem:s19+$0x200] =	vst v0  }
0x2c: {  	s17 =	simm.s32 $0x40;
	s18 =	simm.s32 $0x0  }
.LBB2_4:
0x2d: {  	p0 =	sne.s32 s17, $0x1FC0;
	[tilespmem:s18+$0x8200] =	vst v0;
	s18 =	smov.u32 s17;
	s17 =	sadd.s32 $0x40, s17  }
.Ltmp1:
0x2e: {  	(pc) =	sbr.rel @p0 .LBB2_4-.Ltmp1, $2  }
0x2f: {  	_ =	sdelay $0x2  }
0x30: {  	s18 =	sshra.s32 s18, $0x2  }
0x31: {  	[tilespmem:s18+$0x8200] =	vst v0;
	s17 =	rddreg [dreg:$0xe]  }
0x32: {  	[spmem:s17] =	stream.linear.scatter [tilespmem:s30], [sflag:$0x5], $0x4000, $0x38;
	[tilespmem:$0x1F200] =	vst v63  }
0x33: {  	_ =	swait.ge [sflag:s31], $0x4000  }
0x34: {  	[sflag:s31] =	ssyncset.done $0x0  }
0x35: {  	s22 =	rddreg [dreg:$0xf];
	[sflag:s31] =	ssyncadd.s32 $0xFFFFC000  }
0x36: {  	[spmem:s22] =	stream.linear.scatter [tilespmem:s0], [sflag:$0x5], $0x800, $0x38;
	[tilespmem:$0x1F200] =	vst v63  }
0x37: {  	_ =	swait.ge [sflag:s31], $0x800  }
0x38: {  	[sflag:s31] =	ssyncset.done $0x0  }
0x39: {  	s18 =	rddreg [dreg:$0x10];
	[sflag:s31] =	ssyncadd.s32 $0xFFFFF800  }
0x3a: {  	[spmem:s18] =	stream.linear.scatter [tilespmem:s30], [sflag:$0x5], $0x4000, $0x38;
	[tilespmem:$0x1F200] =	vst v63  }
0x3b: {  	_ =	swait.ge [sflag:s31], $0x4000  }
0x3c: {  	[sflag:s31] =	ssyncset.done $0x0  }
0x3d: {  	s19 =	rddreg [dreg:$0x11];
	[sflag:s31] =	ssyncadd.s32 $0xFFFFC000  }
0x3e: {  	[spmem:s19] =	stream.linear.scatter [tilespmem:s0], [sflag:$0x5], $0x800, $0x38;
	[tilespmem:$0x1F200] =	vst v63  }
0x3f: {  	_ =	swait.ge [sflag:s31], $0x800  }
0x40: {  	[sflag:s31] =	ssyncset.done $0x0  }
0x41: {  	s20 =	rddreg [dreg:$0x12];
	[sflag:s31] =	ssyncadd.s32 $0xFFFFF800  }
0x42: {  	[spmem:s20] =	stream.linear.scatter [tilespmem:s30], [sflag:$0x5], $0x4000, $0x38;
	[tilespmem:$0x1F200] =	vst v63  }
0x43: {  	_ =	swait.ge [sflag:s31], $0x4000  }
0x44: {  	[sflag:s31] =	ssyncset.done $0x0  }
0x45: {  	s21 =	rddreg [dreg:$0x13];
	[sflag:s31] =	ssyncadd.s32 $0xFFFFC000  }
0x46: {  	[spmem:s21] =	stream.linear.scatter [tilespmem:s0], [sflag:$0x5], $0x800, $0x38;
	[tilespmem:$0x1F200] =	vst v63  }
0x47: {  	_ =	swait.ge [sflag:s31], $0x800  }
0x48: {  	[sflag:s31] =	ssyncset.done $0x0  }
0x49: {  	s22 =	rddreg [dreg:$0x14];
	[sflag:s31] =	ssyncadd.s32 $0xFFFFF800  }
0x4a: {  	[spmem:s22] =	stream.linear.scatter [tilespmem:s30], [sflag:$0x5], $0x4000, $0x38;
	[tilespmem:$0x1F200] =	vst v63  }
0x4b: {  	_ =	swait.ge [sflag:s31], $0x4000  }
0x4c: {  	[sflag:s31] =	ssyncset.done $0x0  }
0x4d: {  	[sflag:s31] =	ssyncadd.s32 $0xFFFFC000  }
0x4e: {  	[spmem:s23] =	stream.linear.scatter [tilespmem:s0], [sflag:$0x5], $0x800, $0x38;
	[tilespmem:$0x1F200] =	vst v63  }
0x4f: {  	_ =	swait.ge [sflag:s31], $0x800  }
0x50: {  	[sflag:s31] =	ssyncset.done $0x0  }
0x51: {  	[sflag:s31] =	ssyncadd.s32 $0xFFFFF800  }
0x52: {  	[spmem:s24] =	stream.linear.scatter [tilespmem:s30], [sflag:$0x5], $0x4000, $0x38;
	[tilespmem:$0x1F200] =	vst v63  }
0x53: {  	_ =	swait.ge [sflag:s31], $0x4000  }
0x54: {  	[sflag:s31] =	ssyncset.done $0x0  }
0x55: {  	[sflag:s31] =	ssyncadd.s32 $0xFFFFC000  }
0x56: {  	[spmem:s25] =	stream.linear.scatter [tilespmem:s0], [sflag:$0x5], $0x800, $0x38;
	[tilespmem:$0x1F200] =	vst v63  }
0x57: {  	_ =	swait.ge [sflag:s31], $0x800  }
0x58: {  	[sflag:s31] =	ssyncset.done $0x0  }
0x59: {  	s17 =	simm.s32 $0x40;
	s18 =	simm.s32 $0x0;
	[sflag:s31] =	ssyncadd.s32 $0xFFFFF800  }
.LBB2_6:
0x5a: {  	p0 =	sne.s32 s17, $0x1FC0;
	[tilespmem:s18+$0x8200] =	vst v1;
	s18 =	smov.u32 s17;
	s17 =	sadd.s32 $0x40, s17  }
.Ltmp2:
0x5b: {  	(pc) =	sbr.rel @p0 .LBB2_6-.Ltmp2, $2  }
0x5c: {  	_ =	sdelay $0x2  }
0x5d: {  	s18 =	sshra.s32 s18, $0x2  }
0x5e: {  	[tilespmem:s18+$0x8200] =	vst v1  }
0x5f: {  	[bflag:$0x0] =	sbarrier.arrive $0xFFFF  }
0x60: {  	s17 =	simm.s32 $0x0;
	s20 =	rddreg [dreg:$0x7]  }
0x61: {  	[tilespmem:s17], [sflag:$0x5] =	stream.linear.gather [hbm4b:s20+s17], $0x80, $0x38;
	[tilespmem:$0x1F200] =	vst v63  }
0x62: {  	_ =	swait.ge [sflag:s31], $0x80  }
0x63: {  	[sflag:s31] =	ssyncset.done $0x0  }
0x64: {  	s21 =	rddreg [dreg:$0x8];
	[sflag:s31] =	ssyncadd.s32 $0xFFFFFF80  }
0x65: {  	[tilespmem:s4], [sflag:$0x5] =	stream.linear.gather [hbm4b:s21+s17], $0x80, $0x38;
	[tilespmem:$0x1F200] =	vst v63  }
0x66: {  	_ =	swait.ge [sflag:s31], $0x80  }
0x67: {  	[sflag:s31] =	ssyncset.done $0x0  }
0x68: {  	[sflag:s31] =	ssyncadd.s32 $0xFFFFFF80  }
0x69: {  	[tilespmem:s30], [sflag:$0x3] =	stream.indirect.gather [hbm4b:s1+s8], $0x80, s17, s8, $0xb8;
	[tilespmem:$0x1F200] =	vst v63  }
0x6a: {  	s22 =	rddreg [dreg:$0x9]  }
0x6b: {  	[tilespmem:s8], [sflag:$0x2] =	stream.linear.gather [hbm4b:s22+s17], $0x80, $0x38;
	[tilespmem:$0x1F200] =	vst v63  }
0x6c: {  	s19 =	rddreg [dreg:$0xa]  }
0x6d: {  	[tilespmem:s10], [sflag:$0x2] =	stream.linear.gather [hbm4b:s19+s17], $0x80, $0x38;
	[tilespmem:$0x1F200] =	vst v63  }
0x6e: {  	_ =	swait.ge [sflag:s11], $0x4000  }
0x6f: {  	[sflag:s11] =	ssyncset.done $0x0  }
0x70: {  	[sflag:s11] =	ssyncadd.s32 $0xFFFFC000  }
0x71: {  	_ =	swait.ge [sflag:s12], $0x80  }
0x72: {  	[sflag:s12] =	ssyncset.done $0x0  }
0x73: {  	[sflag:s12] =	ssyncadd.s32 $0xFFFFFF80  }
0x74: {  	_ =	swait.ge [sflag:s12], $0x80  }
0x75: {  	[sflag:s12] =	ssyncset.done $0x0  }
0x76: {  	[sflag:s12] =	ssyncadd.s32 $0xFFFFFF80  }
0x77: {  	[tilespmem:s13], [sflag:$0x4] =	stream.indirect.gather [hbm4b:s1+s8], $0x80, s8, s8, $0xb8;
	[tilespmem:$0x1F200] =	vst v63  }
0x78: {  	_ = 	snop  }
0x79: {  	[spmem:s2] =	stream.indirect.scatter.add.f32 [tilespmem:s30], [sflag:$0x5], $0x80, s4, s8, $0xb8;
	[tilespmem:$0x1F200] =	vst v63  }
0x7a: {  	_ =	swait.ge [sflag:s31], $0x4000  }
0x7b: {  	[sflag:s31] =	ssyncset.done $0x0  }
0x7c: {  	[sflag:s31] =	ssyncadd.s32 $0xFFFFC000  }
0x7d: {  	[spmem:s3] =	stream.indirect.scatter.add.f32 [tilespmem:s0], [sflag:$0x5], $0x10, s4, s8, $0xb8;
	[tilespmem:$0x1F200] =	vst v63  }
0x7e: {  	s20 =	sadd.s32 $0xFFFFFF80, s26;
	_ =	swait.ge [sflag:s31], $0x800  }
0x7f: {  	s17 =	sshrl.u32 s20, $0x3;
	[sflag:s31] =	ssyncset.done $0x0  }
0x80: {  	s21 =	sadd.s32 s6, s17;
	[sflag:s31] =	ssyncadd.s32 $0xFFFFF800  }
0x81: {  	[tilespmem:s5], [sflag:$0x1] =	stream.linear.gather [hbm4b:s21+s5], $0x80, $0x38;
	[tilespmem:$0x1F200] =	vst v63  }
0x82: {  	s17 =	sadd.s32 s7, s17  }
0x83: {  	[tilespmem:s4], [sflag:$0x1] =	stream.linear.gather [hbm4b:s17+s5], $0x80, $0x38;
	[tilespmem:$0x1F200] =	vst v63  }
0x84: {  	_ =	swait.ge [sflag:s14], $0x4000  }
0x85: {  	[sflag:s14] =	ssyncset.done $0x0  }
0x86: {  	[sflag:s14] =	ssyncadd.s32 $0xFFFFC000  }
0x87: {  	_ =	swait.ge [sflag:s15], $0x80  }
0x88: {  	[sflag:s15] =	ssyncset.done $0x0  }
0x89: {  	[sflag:s15] =	ssyncadd.s32 $0xFFFFFF80  }
0x8a: {  	_ =	swait.ge [sflag:s15], $0x80  }
0x8b: {  	[sflag:s15] =	ssyncset.done $0x0  }
0x8c: {  	[sflag:s15] =	ssyncadd.s32 $0xFFFFFF80  }
0x8d: {  	[tilespmem:s30], [sflag:$0x3] =	stream.indirect.gather [hbm4b:s1+s8], $0x80, s5, s8, $0xb8;
	[tilespmem:$0x1F200] =	vst v63  }
0x8e: {  	_ = 	snop  }
0x8f: {  	[spmem:s2] =	stream.indirect.scatter.add.f32 [tilespmem:s13], [sflag:$0x5], $0x80, s10, s8, $0xb8;
	[tilespmem:$0x1F200] =	vst v63  }
0x90: {  	_ =	swait.ge [sflag:s31], $0x4000  }
0x91: {  	[sflag:s31] =	ssyncset.done $0x0  }
0x92: {  	[sflag:s31] =	ssyncadd.s32 $0xFFFFC000  }
0x93: {  	[spmem:s3] =	stream.indirect.scatter.add.f32 [tilespmem:s0], [sflag:$0x5], $0x10, s10, s8, $0xb8;
	[tilespmem:$0x1F200] =	vst v63  }
0x94: {  	_ =	swait.ge [sflag:s31], $0x800  }
0x95: {  	p0 =	sne.s32 s9, $0x1;
	s22 =	rddreg [dreg:$0x6]  }
.Ltmp3:
0x96: {  	[sflag:s31] =	ssyncset.done $0x0;
	p1 =	sle.s32 s22, $0x0;
	(pc) =	sbr.rel @!p0 .LBB2_9-.Ltmp3, $4  }
0x97: {  	[sflag:s31] =	ssyncadd.s32 $0xFFFFF800;
	s18 =	sshrl.u32 @!p1 s26, $0x3;
	s17 =	simm.s32 @!p1 $0x80  }
0x98: {  	s19 =	simm.s32 @!p1 $0x0;
	s21 =	simm.s32 @!p1 $0x180;
	s20 =	sadd.s32 @!p1 s6, s18  }
0x99: {  	[tilespmem:s17], [sflag:$0x2] =	stream.linear.gather @!p1 [hbm4b:s20+s19], $0x80, $0x38;
	[tilespmem:$0x1F200] =	vst v63  }
0x9a: {  	s17 =	simm.s32 $0x1;
	s20 =	sadd.s32 @!p1 s7, s18;
	s18 =	sadd.s32 $0x100, s26  }
.LBB2_8:
0x9b: {  	[tilespmem:s21], [sflag:$0x2] =	stream.linear.gather @!p1 [hbm4b:s20+s19], $0x80, $0x38;
	[tilespmem:$0x1F200] =	vst v63  }
0x9c: {  	_ =	swait.ge [sflag:s11], $0x4000  }
0x9d: {  	[sflag:s11] =	ssyncset.done $0x0  }
0x9e: {  	[sflag:s11] =	ssyncadd.s32 $0xFFFFC000  }
0x9f: {  	_ =	swait.ge [sflag:s12], $0x80  }
0xa0: {  	[sflag:s12] =	ssyncset.done $0x0  }
0xa1: {  	[sflag:s12] =	ssyncadd.s32 $0xFFFFFF80  }
0xa2: {  	_ =	swait.ge [sflag:s12], $0x80  }
0xa3: {  	[sflag:s12] =	ssyncset.done $0x0  }
0xa4: {  	[sflag:s12] =	ssyncadd.s32 $0xFFFFFF80  }
0xa5: {  	[tilespmem:s13], [sflag:$0x4] =	stream.indirect.gather [hbm4b:s1+s8], $0x80, s8, s8, $0xb8;
	[tilespmem:$0x1F200] =	vst v63  }
0xa6: {  	_ = 	snop  }
0xa7: {  	[spmem:s2] =	stream.indirect.scatter.add.f32 [tilespmem:s30], [sflag:$0x5], $0x80, s4, s8, $0xb8;
	[tilespmem:$0x1F200] =	vst v63  }
0xa8: {  	_ =	swait.ge [sflag:s31], $0x4000  }
0xa9: {  	[sflag:s31] =	ssyncset.done $0x0  }
0xaa: {  	[sflag:s31] =	ssyncadd.s32 $0xFFFFC000  }
0xab: {  	[spmem:s3] =	stream.indirect.scatter.add.f32 [tilespmem:s0], [sflag:$0x5], $0x10, s4, s8, $0xb8;
	[tilespmem:$0x1F200] =	vst v63  }
0xac: {  	s21 =	sadd.s32 $0xFFFFFF80, s18;
	_ =	swait.ge [sflag:s31], $0x800  }
0xad: {  	s20 =	sshrl.u32 s21, $0x3;
	[sflag:s31] =	ssyncset.done $0x0  }
0xae: {  	s22 =	sadd.s32 s6, s20;
	[sflag:s31] =	ssyncadd.s32 $0xFFFFF800  }
0xaf: {  	[tilespmem:s5], [sflag:$0x1] =	stream.linear.gather [hbm4b:s22+s5], $0x80, $0x38;
	[tilespmem:$0x1F200] =	vst v63  }
0xb0: {  	s20 =	sadd.s32 s7, s20  }
0xb1: {  	[tilespmem:s4], [sflag:$0x1] =	stream.linear.gather [hbm4b:s20+s5], $0x80, $0x38;
	[tilespmem:$0x1F200] =	vst v63  }
0xb2: {  	_ =	swait.ge [sflag:s14], $0x4000  }
0xb3: {  	[sflag:s14] =	ssyncset.done $0x0  }
0xb4: {  	[sflag:s14] =	ssyncadd.s32 $0xFFFFC000  }
0xb5: {  	_ =	swait.ge [sflag:s15], $0x80  }
0xb6: {  	[sflag:s15] =	ssyncset.done $0x0  }
0xb7: {  	[sflag:s15] =	ssyncadd.s32 $0xFFFFFF80  }
0xb8: {  	_ =	swait.ge [sflag:s15], $0x80  }
0xb9: {  	[sflag:s15] =	ssyncset.done $0x0  }
0xba: {  	[sflag:s15] =	ssyncadd.s32 $0xFFFFFF80  }
0xbb: {  	[tilespmem:s30], [sflag:$0x3] =	stream.indirect.gather [hbm4b:s1+s8], $0x80, s5, s8, $0xb8;
	[tilespmem:$0x1F200] =	vst v63  }
0xbc: {  	_ = 	snop  }
0xbd: {  	[spmem:s2] =	stream.indirect.scatter.add.f32 [tilespmem:s13], [sflag:$0x5], $0x80, s10, s8, $0xb8;
	[tilespmem:$0x1F200] =	vst v63  }
0xbe: {  	_ =	swait.ge [sflag:s31], $0x4000  }
0xbf: {  	[sflag:s31] =	ssyncset.done $0x0  }
0xc0: {  	[sflag:s31] =	ssyncadd.s32 $0xFFFFC000  }
0xc1: {  	[spmem:s3] =	stream.indirect.scatter.add.f32 [tilespmem:s0], [sflag:$0x5], $0x10, s10, s8, $0xb8;
	[tilespmem:$0x1F200] =	vst v63  }
0xc2: {  	s19 =	smov.u32 s17;
	s17 =	sadd.s32 $0x1, s17;
	_ =	swait.ge [sflag:s31], $0x800  }
0xc3: {  	p0 =	sne.s32 s9, s17;
	s22 =	rddreg [dreg:$0x6]  }
.Ltmp4:
0xc4: {  	[sflag:s31] =	ssyncset.done $0x0;
	p1 =	sge.s32 s19, s22;
	(pc) =	sbr.rel @p0 .LBB2_8-.Ltmp4, $4  }
0xc5: {  	[sflag:s31] =	ssyncadd.s32 $0xFFFFF800;
	s20 =	sshrl.u32 @!p1 s18, $0x3  }
0xc6: {  	s21 =	simm.s32 @!p1 $0x80;
	s19 =	simm.s32 @!p1 $0x0;
	s22 =	sadd.s32 @!p1 s6, s20  }
0xc7: {  	[tilespmem:s21], [sflag:$0x2] =	stream.linear.gather @!p1 [hbm4b:s22+s19], $0x80, $0x38;
	[tilespmem:$0x1F200] =	vst v63  }
0xc8: {  	s18 =	sadd.s32 $0x100, s18;
	s20 =	sadd.s32 @!p1 s7, s20;
	s21 =	simm.s32 @!p1 $0x180  }
.LBB2_9:
0xc9: {  	[tilespmem:s21], [sflag:$0x2] =	stream.linear.gather @!p1 [hbm4b:s20+s19], $0x80, $0x38;
	[tilespmem:$0x1F200] =	vst v63  }
0xca: {  	_ =	swait.ge [sflag:s11], $0x4000  }
0xcb: {  	[sflag:s11] =	ssyncset.done $0x0  }
0xcc: {  	[sflag:s11] =	ssyncadd.s32 $0xFFFFC000  }
0xcd: {  	[spmem:s2] =	stream.indirect.scatter.add.f32 [tilespmem:s30], [sflag:$0x5], $0x80, s4, s8, $0xb8;
	[tilespmem:$0x1F200] =	vst v63  }
0xce: {  	_ =	swait.ge [sflag:s31], $0x4000  }
0xcf: {  	[sflag:s31] =	ssyncset.done $0x0  }
0xd0: {  	[sflag:s31] =	ssyncadd.s32 $0xFFFFC000  }
0xd1: {  	[spmem:s3] =	stream.indirect.scatter.add.f32 [tilespmem:s0], [sflag:$0x5], $0x10, s4, s8, $0xb8;
	[tilespmem:$0x1F200] =	vst v63  }
0xd2: {  	_ =	swait.ge [sflag:s31], $0x800  }
0xd3: {  	[sflag:s31] =	ssyncset.done $0x0  }
0xd4: {  	s17 =	stileid.u32;
	[sflag:s31] =	ssyncadd.s32 $0xFFFFF800  }
0xd5: {  	s17 =	sshll.u32 s17, $0x6;
	[bflag:$0x0] =	sbarrier.arrive $0xFFFF  }
0xd6: {  	s17 =	sor.u32 $0x1C05, s17;
	s18 =	rddreg [dreg:$0xb]  }
0xd7: {  	[hbm:s18], [sflag:s17] =	dma.local [spmem:s28], $0x2800  }
0xd8: {  	_ =	swait.ge [sflag:s31], $0x2800  }
0xd9: {  	[sflag:s31] =	ssyncset.done $0x0  }
0xda: {  	s21 =	rddreg [dreg:$0xc];
	[sflag:s31] =	ssyncadd.s32 $0xFFFFD800  }
0xdb: {  	[hbm:s21], [sflag:s17] =	dma.local [spmem:s29], $0x500  }
0xdc: {  	_ =	swait.ge [sflag:s31], $0x500  }
0xdd: {  	s16 =	sadd.s32 $0x1, s16;
	s22 =	rddreg [dreg:$0xd]  }
0xde: {  	p0 =	sne.s32 s16, s22  }
.Ltmp5:
0xdf: {  	_ = 	snop;
	(pc) =	sbr.rel @p0 .LBB2_1-.Ltmp5, $3  }
0xe0: {  	_ =	sdelay $0x1  }
0xe1: {  	[sflag:s31] =	ssyncset.done $0x0  }
0xe2: {  	[sflag:s31] =	ssyncadd.s32 $0xFFFFFB00  }
0xe3: {  	_ =	sfence.sel $0x180000  }
0xe4: {  	[bflag:$0x0] =	sbarrier.arrive $0xFFFF  }
0xe5: {  	_ =	strace $0x90000047  }
0xe6: {  	s0 =	stileid.u32;
	[bflag:$0x2] =	sbarrier.arrive $0xFFFF  }
0xe7: {  	p0 =	sne.s32 s0, $0x0;
	s0 =	rddreg [dreg:$0x5]  }
0xe8: {  	s0 =	sadd.s32 @!p0 $0x100000, s0  }
0xe9: {  	[sflag:s0] =	ssyncadd.tile.s32 @!p0 $0x1;
	_ =	shalt  }
.Lfunc_end2:
_tile_overlayer_lowered:
.L_overlay_start_2:
0xea: {  	(tag) =	ssettag $0x2  }
0xeb: {  	s0 =	rddreg [dreg:$0x0];
	s2 =	stileid.u32  }
0xec: {  	s1 =	rddreg [dreg:$0x1];
	p0 =	sne.s32 s2, $0x0  }
0xed: {  	s3 =	rddreg [dreg:$0x2];
	[bflag:$0x3] =	sbarrier.arrive $0xFFFF;
	s2 =	simm.s32 @!p0 $0x1C05  }
0xee: {  	[timem:s3], [sflag:s2] =	dma.local @!p0 [hbm:s0], s1  }
0xef: {  	s0 =	simm.s32 @!p0 $0x5  }
0xf0: {  	_ =	swait.ge @!p0 [sflag:s0], s1  }
0xf1: {  	s1 =	ssub.s32 @!p0 $0x0, s1;
	[sflag:s0] =	ssyncset.done @!p0 $0x0  }
0xf2: {  	[sflag:s0] =	ssyncadd.s32 @!p0 s1  }
0xf3: {  	[bflag:$0x3] =	sbarrier.arrive $0xFFFF  }
0xf4: {  	_ =	shalt  }

</sc_bundles>
